<compile_context>
chip_gen: v7x
topology: tpu7x:2x2x1
jax: 0.10.2.dev20260603
libtpu: 0.0.44.dev20260713+nightly
codegen_flags: <defaults>
</compile_context>

<pallas_src>
import functools

import jax
import jax.numpy as jnp
from jax import lax
from jax.experimental import pallas as pl
from jax.experimental.pallas import tpu as pltpu
from jax.experimental.pallas import tpu_sc as plsc

_B, _M, _N, _C = 4, 2048, 4096, 128
_NC, _H1, _H2, _OUT = 20, 128, 256, 128
_TN = 512
_D = 128
_CH = 128


def _dot(a, b):
    return jnp.dot(a.astype(jnp.bfloat16), b.astype(jnp.bfloat16),
                   preferred_element_type=jnp.float32)


def _semantic_body(f_ref, w1_ref, b1_ref, w2_ref, b2_ref, lg_ref, p_ref):
    f = f_ref[0]
    h = jnp.maximum(_dot(f, w1_ref[...]) + b1_ref[...], 0.0)
    lg = _dot(h, w2_ref[...]) + b2_ref[...]
    lg_ref[0] = lg
    e = jnp.exp(lg - jnp.max(lg, axis=-1, keepdims=True))
    p_ref[0] = e / jnp.sum(e, axis=-1, keepdims=True)


def _select_body(tgt_ref, src_ref, p_ref, i0_ref, i1_ref, i2_ref,
                 w0_ref, w1_ref, w2_ref, sw_ref):
    t = tgt_ref[0]
    s = src_ref[0]
    t2 = jnp.sum(t * t, axis=1, keepdims=True)
    s2 = jnp.sum(s * s, axis=0, keepdims=True) * 0.25
    cross = _dot(t, s)
    sq = (t2 + s2) + cross

    inf = jnp.float32(jnp.inf)
    iota = lax.broadcasted_iota(jnp.int32, sq.shape, 1)

    vmin0 = jnp.min(sq, axis=1, keepdims=True)
    gt0 = sq > vmin0
    vmin1 = jnp.min(jnp.where(gt0, sq, inf), axis=1, keepdims=True)
    gt1 = sq > vmin1
    vmin2 = jnp.min(jnp.where(gt1, sq, inf), axis=1, keepdims=True)
    le2 = sq <= vmin2
    total = jnp.sum(le2.astype(jnp.float32))

    one = jnp.float32(1.0)
    zero = jnp.float32(0.0)

    def _fast(_):
        i0 = jnp.min(jnp.where(gt0, _M, iota), axis=1, keepdims=True)
        i1 = jnp.min(jnp.where(gt1 | ~gt0, _M, iota), axis=1, keepdims=True)
        i2 = jnp.min(jnp.where(le2 & gt1, iota, _M), axis=1, keepdims=True)
        asum = jnp.where(le2, one, zero)
        return i0, i1, i2, vmin1, vmin2, _dot(asum, p_ref[0])

    def _exact(_):
        i0 = jnp.min(jnp.where(sq == vmin0, iota, _M), axis=1, keepdims=True)
        m0 = iota == i0
        v1 = jnp.min(jnp.where(m0, inf, sq), axis=1, keepdims=True)
        i1 = jnp.min(jnp.where((sq == v1) & ~m0, iota, _M),
                     axis=1, keepdims=True)
        m1 = iota == i1
        m01 = m0 | m1
        v2 = jnp.min(jnp.where(m01, inf, sq), axis=1, keepdims=True)
        i2 = jnp.min(jnp.where((sq == v2) & ~m01, iota, _M),
                     axis=1, keepdims=True)
        asum = jnp.where(m01 | (iota == i2), one, zero)
        return i0, i1, i2, v1, v2, _dot(asum, p_ref[0])

    i0, i1, i2, v1, v2, sw3 = lax.cond(
        total == jnp.float32(3 * _TN), _fast, _exact, None)

    d0 = jnp.sqrt(jnp.maximum(vmin0, 1e-12))
    d1 = jnp.sqrt(jnp.maximum(v1, 1e-12))
    d2 = jnp.sqrt(jnp.maximum(v2, 1e-12))
    mx = jnp.maximum(-d0, jnp.maximum(-d1, -d2))
    e0 = jnp.exp(-d0 - mx)
    e1 = jnp.exp(-d1 - mx)
    e2 = jnp.exp(-d2 - mx)
    z = e0 + e1 + e2
    i0_ref[0, 0] = i0
    i1_ref[0, 0] = i1
    i2_ref[0, 0] = i2
    w0_ref[0, 0] = e0 / z
    w1_ref[0, 0] = e1 / z
    w2_ref[0, 0] = e2 / z
    sw_ref[0, 0] = sw3 * jnp.float32(1.0 / 3.0)


def _make_sc_gather(n_rows):
    info = plsc.get_sparse_core_info()
    nw = info.num_cores * info.num_subcores
    per_w = n_rows // nw
    n_chunks = per_w // _CH
    mesh = plsc.VectorSubcoreMesh(core_axis_name="c", subcore_axis_name="s")

    @functools.partial(
        pl.kernel, mesh=mesh,
        out_type=jax.ShapeDtypeStruct((n_rows, _D), jnp.float32),
        scratch_types=[
            pltpu.VMEM((_CH,), jnp.int32),
            pltpu.VMEM((_CH, _D), jnp.float32),
            pltpu.SemaphoreType.DMA,
        ],
    )
    def gather(table_hbm, idx_hbm, out_hbm, idx_v, rows_v, sem):
        wid = lax.axis_index("s") * info.num_cores + lax.axis_index("c")
        base = wid * per_w
        for c in range(n_chunks):
            off = base + c * _CH
            pltpu.sync_copy(idx_hbm.at[pl.ds(off, _CH)], idx_v)
            pltpu.async_copy(table_hbm.at[idx_v], rows_v, sem).wait()
            pltpu.sync_copy(rows_v, out_hbm.at[pl.ds(off, _CH)])

    return gather


def _combine_body(g_ref, w0_ref, w1_ref, w2_ref, sw_ref, u1a_ref, u1b_ref,
                  bu1_ref, u2_ref, bu2_ref, out_ref):
    f0 = g_ref[:, 0, :]
    f1 = g_ref[:, 1, :]
    f2 = g_ref[:, 2, :]
    w0, w1, w2 = w0_ref[0], w1_ref[0], w2_ref[0]

    def _bf(x):
        return x.astype(jnp.bfloat16).astype(jnp.float32)

    fused = (_bf(w0) * _bf(f0) + _bf(w1) * _bf(f1) + _bf(w2) * _bf(f2))
    semw = sw_ref[0]

    h = jnp.maximum(
        _dot(fused, u1a_ref[...]) + _dot(semw, u1b_ref[...])
        + bu1_ref[...], 0.0)
    out_ref[...] = _dot(h, u2_ref[...]) + bu2_ref[...]


def kernel(src_points, tgt_points, src_features, W1, b1, W2, b2,
           U1, bu1, U2, bu2):
    B, M, _ = src_points.shape
    N = tgt_points.shape[1]
    C = src_features.shape[-1]
    NC = W2.shape[-1]
    H2 = U1.shape[-1]
    OUT = U2.shape[-1]
    nblk = N // _TN

    logits, p = pl.pallas_call(
        _semantic_body,
        grid=(B,),
        in_specs=[
            pl.BlockSpec((1, M, C), lambda b: (b, 0, 0)),
            pl.BlockSpec((C, _H1), lambda b: (0, 0)),
            pl.BlockSpec((1, _H1), lambda b: (0, 0)),
            pl.BlockSpec((_H1, NC), lambda b: (0, 0)),
            pl.BlockSpec((1, NC), lambda b: (0, 0)),
        ],
        out_specs=[
            pl.BlockSpec((1, M, NC), lambda b: (b, 0, 0)),
            pl.BlockSpec((1, M, NC), lambda b: (b, 0, 0)),
        ],
        out_shape=[
            jax.ShapeDtypeStruct((B, M, NC), jnp.float32),
            jax.ShapeDtypeStruct((B, M, NC), jnp.float32),
        ],
    )(src_features, W1, b1.reshape(1, -1), W2, b2.reshape(1, -1))

    tgt_pad = jnp.concatenate(
        [tgt_points, jnp.zeros((B, N, 5), jnp.float32)], axis=2)
    src_pad = jnp.concatenate(
        [src_points.transpose(0, 2, 1) * -2.0,
         jnp.zeros((B, 5, M), jnp.float32)], axis=1)

    io_spec = pl.BlockSpec((1, 1, _TN, 1), lambda b, j: (b, j, 0, 0))
    io_shape = jax.ShapeDtypeStruct((B, nblk, _TN, 1), jnp.int32)
    wf_shape = jax.ShapeDtypeStruct((B, nblk, _TN, 1), jnp.float32)
    sw_spec = pl.BlockSpec((1, 1, _TN, NC), lambda b, j: (b, j, 0, 0))
    sw_shape = jax.ShapeDtypeStruct((B, nblk, _TN, NC), jnp.float32)
    i0, i1, i2, w0, w1, w2, sw = pl.pallas_call(
        _select_body,
        grid=(B, nblk),
        in_specs=[
            pl.BlockSpec((1, _TN, 8), lambda b, j: (b, j, 0)),
            pl.BlockSpec((1, 8, M), lambda b, j: (b, 0, 0)),
            pl.BlockSpec((1, M, NC), lambda b, j: (b, 0, 0)),
        ],
        out_specs=[io_spec] * 3 + [io_spec] * 3 + [sw_spec],
        out_shape=[io_shape, io_shape, io_shape, wf_shape, wf_shape, wf_shape,
                   sw_shape],
    )(tgt_pad, src_pad, p)

    offs = (jnp.arange(B, dtype=jnp.int32) * M)[:, None, None, None]
    idx_all = jnp.concatenate([i0 + offs, i1 + offs, i2 + offs], axis=3)
    gidx = idx_all.reshape(-1)

    table = src_features.reshape(B * M, _D)
    rows = _make_sc_gather(B * N * 3)(table, gidx)

    g = rows.reshape(B * N, 3, _D)
    wr = (B * nblk, _TN, 1)
    upsampled = pl.pallas_call(
        _combine_body,
        grid=(B * nblk,),
        in_specs=[
            pl.BlockSpec((_TN, 3, _D), lambda i: (i, 0, 0)),
            pl.BlockSpec((1, _TN, 1), lambda i: (i, 0, 0)),
            pl.BlockSpec((1, _TN, 1), lambda i: (i, 0, 0)),
            pl.BlockSpec((1, _TN, 1), lambda i: (i, 0, 0)),
            pl.BlockSpec((1, _TN, NC), lambda i: (i, 0, 0)),
            pl.BlockSpec((C, H2), lambda i: (0, 0)),
            pl.BlockSpec((NC, H2), lambda i: (0, 0)),
            pl.BlockSpec((1, H2), lambda i: (0, 0)),
            pl.BlockSpec((H2, OUT), lambda i: (0, 0)),
            pl.BlockSpec((1, OUT), lambda i: (0, 0)),
        ],
        out_specs=pl.BlockSpec((_TN, OUT), lambda i: (i, 0)),
        out_shape=jax.ShapeDtypeStruct((B * N, OUT), jnp.float32),
    )(g, w0.reshape(wr), w1.reshape(wr), w2.reshape(wr),
      sw.reshape(B * nblk, _TN, NC),
      U1[:C], U1[C:], bu1.reshape(1, -1), U2, bu2.reshape(1, -1))

    return (upsampled.reshape(B, N, OUT), logits)

# --- scband reference (transcript-rebuilt; emitter-appended) ---
"""Pipeline reference for scband-semantic-guided-upsampling-86431921865225 (READ-ONLY COPY).

The authoritative reference and input builder live on the scoring server;
editing this copy changes nothing except your own understanding.
"""

import jax, jax.numpy as jnp
import numpy as np

B, M, N, C = 4, 2048, 4096, 128
NC, H1, H2, OUT = 20, 128, 256, 128

def setup_inputs(seed: int = 0) -> dict:
    key = jax.random.key(seed)
    ks = jax.random.split(key, 8)
    return {
        "src_points": jax.random.normal(ks[0], (B, M, 3), dtype=jnp.float32),
        "tgt_points": jax.random.normal(ks[1], (B, N, 3), dtype=jnp.float32),
        "src_features": jax.random.normal(ks[2], (B, M, C), dtype=jnp.float32),
        "W1": jax.random.normal(ks[3], (C, H1), dtype=jnp.float32) * 0.05,
        "b1": jnp.zeros((H1,), dtype=jnp.float32),
        "W2": jax.random.normal(ks[4], (H1, NC), dtype=jnp.float32) * 0.05,
        "b2": jnp.zeros((NC,), dtype=jnp.float32),
        "U1": jax.random.normal(ks[5], (C + NC, H2), dtype=jnp.float32) * 0.05,
        "bu1": jnp.zeros((H2,), dtype=jnp.float32),
        "U2": jax.random.normal(ks[6], (H2, OUT), dtype=jnp.float32) * 0.05,
        "bu2": jnp.zeros((OUT,), dtype=jnp.float32),
    }

def reference(src_points, tgt_points, src_features, W1, b1, W2, b2, U1, bu1, U2, bu2):
    # semantic_head: Linear -> ReLU -> Linear
    semantic_logits = jnp.maximum(src_features @ W1 + b1, 0.0) @ W2 + b2  # [B, M, NC]
    # torch.cdist (p=2): pairwise Euclidean distances [B, N, M]
    sq = (jnp.sum(tgt_points ** 2, axis=-1)[:, :, None]
          + jnp.sum(src_points ** 2, axis=-1)[:, None, :]
          - 2.0 * jnp.einsum('bnd,bmd->bnm', tgt_points, src_points))
    dists = jnp.sqrt(jnp.maximum(sq, 1e-12))
    # topk(k=3, largest=False) -> top_k on negated distances
    neg_vals, knn_idx = jax.lax.top_k(-dists, 3)  # [B, N, 3]
    # gather knn features / semantics
    knn_features = jax.vmap(lambda f, i: f[i])(src_features, knn_idx)      # [B, N, 3, C]
    knn_semantic = jax.vmap(lambda s, i: s[i])(semantic_logits, knn_idx)   # [B, N, 3, NC]
    # weights = softmax(-gathered_dists) ; neg_vals == -gathered_dists already
    weights = jax.nn.softmax(neg_vals, axis=-1)  # [B, N, 3]
    semantic_weights = jax.nn.softmax(knn_semantic, axis=-1).mean(axis=2)  # [B, N, NC]
    fused_features = jnp.einsum('bnkd,bnk->bnd', knn_features, weights)    # [B, N, C]
    fused_semantic = jnp.einsum('bnkc,bnk->bnc', knn_semantic, weights)    # computed (unused) as in original
    combined = jnp.concatenate([fused_features, semantic_weights], axis=-1)  # [B, N, C+NC]
    upsampled = jnp.maximum(combined @ U1 + bu1, 0.0) @ U2 + bu2  # [B, N, OUT]
    return (upsampled, semantic_logits)

if __name__ == "__main__":
    import jax
    _d = setup_inputs()
    print(jax.jit(kernel)(*tuple(_d.values())))

</pallas_src>

<mosaic_0001>
#map = affine_map<(d0, d1) -> (0, 0)>
#map1 = affine_map<(d0, d1) -> (0)>
module attributes {stable_mosaic.version = 14 : i64} {
  func.func @gather(%arg0: i32, %arg1: i32, %arg2: memref<8192x128xf32, #tpu.memory_space<hbm>>, %arg3: memref<49152xi32, #tpu.memory_space<hbm>>, %arg4: memref<49152x128xf32, #tpu.memory_space<hbm>>, %arg5: memref<128xi32, #tpu.memory_space<vmem>>, %arg6: memref<128x128xf32, #tpu.memory_space<vmem>>, %arg7: memref<!tpu.dma_semaphore, #tpu.memory_space<semaphore_mem>>) attributes {dimension_semantics = [#tpu.dimension_semantics<core_parallel>, #tpu.dimension_semantics<subcore_parallel>], iteration_bounds = array<i64: 2, 16>, scalar_prefetch = 0 : i64, scratch_operands = 3 : i64, tpu.core_type = #tpu.core_type<sc_vector_subcore>, window_params = [{transform_indices = #map}, {transform_indices = #map1}, {transform_indices = #map}]} {
    %mul3A = arith.constant 2 : i32
    %mul3A_0 = arith.muli %arg1, %mul3A : i32
    %add3A = arith.addi %mul3A_0, %arg0 : i32
    %mul3A_1 = arith.constant 1536 : i32
    %mul3A_2 = arith.muli %add3A, %mul3A_1 : i32
    %add3A_3 = arith.constant 0 : i32
    %add3A_4 = arith.addi %mul3A_2, %add3A_3 : i32
    "tpu.region"() ({
      %run_scoped3A = tpu.sem_alloc : memref<!tpu.dma_semaphore, #tpu.memory_space<semaphore_mem>>
      %dma_start3A_97 = tpu.memref_slice %arg3[%add3A_4] : memref<49152xi32, #tpu.memory_space<hbm>> -> memref<128xi32, #tpu.memory_space<hbm>>
      %dma_start3A_98 = tpu.memref_slice %arg3[%add3A_4] : memref<49152xi32, #tpu.memory_space<hbm>> -> memref<128xi32, #tpu.memory_space<hbm>>
      tpu.enqueue_dma source(%dma_start3A_98 : memref<128xi32, #tpu.memory_space<hbm>>) target(%arg5 : memref<128xi32, #tpu.memory_space<vmem>>) target_semaphore(%run_scoped3A : memref<!tpu.dma_semaphore, #tpu.memory_space<semaphore_mem>>)
      %dma_wait3A_99 = tpu.memref_slice %arg3[%add3A_4] : memref<49152xi32, #tpu.memory_space<hbm>> -> memref<128xi32, #tpu.memory_space<hbm>>
      %dma_wait3A_100 = tpu.memref_slice %arg3[%add3A_4] : memref<49152xi32, #tpu.memory_space<hbm>> -> memref<128xi32, #tpu.memory_space<hbm>>
      tpu.wait_dma2 semaphore(%run_scoped3A : memref<!tpu.dma_semaphore, #tpu.memory_space<semaphore_mem>>) src(%dma_wait3A_100 : memref<128xi32, #tpu.memory_space<hbm>>) dst(%arg5 : memref<128xi32, #tpu.memory_space<vmem>>)
      tpu.yield
    }) : () -> ()
    %dma_start3A = arith.constant 0 : i32
    %dma_start3A_5 = arith.constant 0 : i32
    %dma_start3A_6 = tpu.memref_slice %arg2[%dma_start3A, %dma_start3A_5] : memref<8192x128xf32, #tpu.memory_space<hbm>> -> memref<8192x128xf32, #tpu.memory_space<hbm>>
    tpu.enqueue_indirect_dma source(%dma_start3A_6 : memref<8192x128xf32, #tpu.memory_space<hbm>>) target(%arg6 : memref<128x128xf32, #tpu.memory_space<vmem>>) offsets(%arg5 : memref<128xi32, #tpu.memory_space<vmem>>) semaphore(%arg7 : memref<!tpu.dma_semaphore, #tpu.memory_space<semaphore_mem>>)
    %dma_wait3A = arith.constant 0 : i32
    %dma_wait3A_7 = arith.constant 0 : i32
    %dma_wait3A_8 = tpu.memref_slice %arg2[%dma_wait3A, %dma_wait3A_7] : memref<8192x128xf32, #tpu.memory_space<hbm>> -> memref<8192x128xf32, #tpu.memory_space<hbm>>
    tpu.wait_indirect_dma semaphore(%arg7 : memref<!tpu.dma_semaphore, #tpu.memory_space<semaphore_mem>>) src(%dma_wait3A_8 : memref<8192x128xf32, #tpu.memory_space<hbm>>) dst(%arg6 : memref<128x128xf32, #tpu.memory_space<vmem>>)
    "tpu.region"() ({
      %run_scoped3A = tpu.sem_alloc : memref<!tpu.dma_semaphore, #tpu.memory_space<semaphore_mem>>
      %dma_start3A_97 = arith.constant 0 : i32
      %dma_start3A_98 = tpu.memref_slice %arg4[%add3A_4, %dma_start3A_97] : memref<49152x128xf32, #tpu.memory_space<hbm>> -> memref<128x128xf32, #tpu.memory_space<hbm>>
      %dma_start3A_99 = arith.constant 0 : i32
      %dma_start3A_100 = tpu.memref_slice %arg4[%add3A_4, %dma_start3A_99] : memref<49152x128xf32, #tpu.memory_space<hbm>> -> memref<128x128xf32, #tpu.memory_space<hbm>>
      tpu.enqueue_dma source(%arg6 : memref<128x128xf32, #tpu.memory_space<vmem>>) target(%dma_start3A_100 : memref<128x128xf32, #tpu.memory_space<hbm>>) target_semaphore(%run_scoped3A : memref<!tpu.dma_semaphore, #tpu.memory_space<semaphore_mem>>)
      %dma_wait3A_101 = arith.constant 0 : i32
      %dma_wait3A_102 = tpu.memref_slice %arg4[%add3A_4, %dma_wait3A_101] : memref<49152x128xf32, #tpu.memory_space<hbm>> -> memref<128x128xf32, #tpu.memory_space<hbm>>
      %dma_wait3A_103 = arith.constant 0 : i32
      %dma_wait3A_104 = tpu.memref_slice %arg4[%add3A_4, %dma_wait3A_103] : memref<49152x128xf32, #tpu.memory_space<hbm>> -> memref<128x128xf32, #tpu.memory_space<hbm>>
      tpu.wait_dma2 semaphore(%run_scoped3A : memref<!tpu.dma_semaphore, #tpu.memory_space<semaphore_mem>>) src(%arg6 : memref<128x128xf32, #tpu.memory_space<vmem>>) dst(%dma_wait3A_104 : memref<128x128xf32, #tpu.memory_space<hbm>>)
      tpu.yield
    }) : () -> ()
    %add3A_9 = arith.constant 128 : i32
    %add3A_10 = arith.addi %mul3A_2, %add3A_9 : i32
    "tpu.region"() ({
      %run_scoped3A = tpu.sem_alloc : memref<!tpu.dma_semaphore, #tpu.memory_space<semaphore_mem>>
      %dma_start3A_97 = tpu.memref_slice %arg3[%add3A_10] : memref<49152xi32, #tpu.memory_space<hbm>> -> memref<128xi32, #tpu.memory_space<hbm>>
      %dma_start3A_98 = tpu.memref_slice %arg3[%add3A_10] : memref<49152xi32, #tpu.memory_space<hbm>> -> memref<128xi32, #tpu.memory_space<hbm>>
      tpu.enqueue_dma source(%dma_start3A_98 : memref<128xi32, #tpu.memory_space<hbm>>) target(%arg5 : memref<128xi32, #tpu.memory_space<vmem>>) target_semaphore(%run_scoped3A : memref<!tpu.dma_semaphore, #tpu.memory_space<semaphore_mem>>)
      %dma_wait3A_99 = tpu.memref_slice %arg3[%add3A_10] : memref<49152xi32, #tpu.memory_space<hbm>> -> memref<128xi32, #tpu.memory_space<hbm>>
      %dma_wait3A_100 = tpu.memref_slice %arg3[%add3A_10] : memref<49152xi32, #tpu.memory_space<hbm>> -> memref<128xi32, #tpu.memory_space<hbm>>
      tpu.wait_dma2 semaphore(%run_scoped3A : memref<!tpu.dma_semaphore, #tpu.memory_space<semaphore_mem>>) src(%dma_wait3A_100 : memref<128xi32, #tpu.memory_space<hbm>>) dst(%arg5 : memref<128xi32, #tpu.memory_space<vmem>>)
      tpu.yield
    }) : () -> ()
    %dma_start3A_11 = arith.constant 0 : i32
    %dma_start3A_12 = arith.constant 0 : i32
    %dma_start3A_13 = tpu.memref_slice %arg2[%dma_start3A_11, %dma_start3A_12] : memref<8192x128xf32, #tpu.memory_space<hbm>> -> memref<8192x128xf32, #tpu.memory_space<hbm>>
    tpu.enqueue_indirect_dma source(%dma_start3A_13 : memref<8192x128xf32, #tpu.memory_space<hbm>>) target(%arg6 : memref<128x128xf32, #tpu.memory_space<vmem>>) offsets(%arg5 : memref<128xi32, #tpu.memory_space<vmem>>) semaphore(%arg7 : memref<!tpu.dma_semaphore, #tpu.memory_space<semaphore_mem>>)
    %dma_wait3A_14 = arith.constant 0 : i32
    %dma_wait3A_15 = arith.constant 0 : i32
    %dma_wait3A_16 = tpu.memref_slice %arg2[%dma_wait3A_14, %dma_wait3A_15] : memref<8192x128xf32, #tpu.memory_space<hbm>> -> memref<8192x128xf32, #tpu.memory_space<hbm>>
    tpu.wait_indirect_dma semaphore(%arg7 : memref<!tpu.dma_semaphore, #tpu.memory_space<semaphore_mem>>) src(%dma_wait3A_16 : memref<8192x128xf32, #tpu.memory_space<hbm>>) dst(%arg6 : memref<128x128xf32, #tpu.memory_space<vmem>>)
    "tpu.region"() ({
      %run_scoped3A = tpu.sem_alloc : memref<!tpu.dma_semaphore, #tpu.memory_space<semaphore_mem>>
      %dma_start3A_97 = arith.constant 0 : i32
      %dma_start3A_98 = tpu.memref_slice %arg4[%add3A_10, %dma_start3A_97] : memref<49152x128xf32, #tpu.memory_space<hbm>> -> memref<128x128xf32, #tpu.memory_space<hbm>>
      %dma_start3A_99 = arith.constant 0 : i32
      %dma_start3A_100 = tpu.memref_slice %arg4[%add3A_10, %dma_start3A_99] : memref<49152x128xf32, #tpu.memory_space<hbm>> -> memref<128x128xf32, #tpu.memory_space<hbm>>
      tpu.enqueue_dma source(%arg6 : memref<128x128xf32, #tpu.memory_space<vmem>>) target(%dma_start3A_100 : memref<128x128xf32, #tpu.memory_space<hbm>>) target_semaphore(%run_scoped3A : memref<!tpu.dma_semaphore, #tpu.memory_space<semaphore_mem>>)
      %dma_wait3A_101 = arith.constant 0 : i32
      %dma_wait3A_102 = tpu.memref_slice %arg4[%add3A_10, %dma_wait3A_101] : memref<49152x128xf32, #tpu.memory_space<hbm>> -> memref<128x128xf32, #tpu.memory_space<hbm>>
      %dma_wait3A_103 = arith.constant 0 : i32
      %dma_wait3A_104 = tpu.memref_slice %arg4[%add3A_10, %dma_wait3A_103] : memref<49152x128xf32, #tpu.memory_space<hbm>> -> memref<128x128xf32, #tpu.memory_space<hbm>>
      tpu.wait_dma2 semaphore(%run_scoped3A : memref<!tpu.dma_semaphore, #tpu.memory_space<semaphore_mem>>) src(%arg6 : memref<128x128xf32, #tpu.memory_space<vmem>>) dst(%dma_wait3A_104 : memref<128x128xf32, #tpu.memory_space<hbm>>)
      tpu.yield
    }) : () -> ()
    %add3A_17 = arith.constant 256 : i32
    %add3A_18 = arith.addi %mul3A_2, %add3A_17 : i32
    "tpu.region"() ({
      %run_scoped3A = tpu.sem_alloc : memref<!tpu.dma_semaphore, #tpu.memory_space<semaphore_mem>>
      %dma_start3A_97 = tpu.memref_slice %arg3[%add3A_18] : memref<49152xi32, #tpu.memory_space<hbm>> -> memref<128xi32, #tpu.memory_space<hbm>>
      %dma_start3A_98 = tpu.memref_slice %arg3[%add3A_18] : memref<49152xi32, #tpu.memory_space<hbm>> -> memref<128xi32, #tpu.memory_space<hbm>>
      tpu.enqueue_dma source(%dma_start3A_98 : memref<128xi32, #tpu.memory_space<hbm>>) target(%arg5 : memref<128xi32, #tpu.memory_space<vmem>>) target_semaphore(%run_scoped3A : memref<!tpu.dma_semaphore, #tpu.memory_space<semaphore_mem>>)
      %dma_wait3A_99 = tpu.memref_slice %arg3[%add3A_18] : memref<49152xi32, #tpu.memory_space<hbm>> -> memref<128xi32, #tpu.memory_space<hbm>>
      %dma_wait3A_100 = tpu.memref_slice %arg3[%add3A_18] : memref<49152xi32, #tpu.memory_space<hbm>> -> memref<128xi32, #tpu.memory_space<hbm>>
      tpu.wait_dma2 semaphore(%run_scoped3A : memref<!tpu.dma_semaphore, #tpu.memory_space<semaphore_mem>>) src(%dma_wait3A_100 : memref<128xi32, #tpu.memory_space<hbm>>) dst(%arg5 : memref<128xi32, #tpu.memory_space<vmem>>)
      tpu.yield
    }) : () -> ()
    %dma_start3A_19 = arith.constant 0 : i32
    %dma_start3A_20 = arith.constant 0 : i32
    %dma_start3A_21 = tpu.memref_slice %arg2[%dma_start3A_19, %dma_start3A_20] : memref<8192x128xf32, #tpu.memory_space<hbm>> -> memref<8192x128xf32, #tpu.memory_space<hbm>>
    tpu.enqueue_indirect_dma source(%dma_start3A_21 : memref<8192x128xf32, #tpu.memory_space<hbm>>) target(%arg6 : memref<128x128xf32, #tpu.memory_space<vmem>>) offsets(%arg5 : memref<128xi32, #tpu.memory_space<vmem>>) semaphore(%arg7 : memref<!tpu.dma_semaphore, #tpu.memory_space<semaphore_mem>>)
    %dma_wait3A_22 = arith.constant 0 : i32
    %dma_wait3A_23 = arith.constant 0 : i32
    %dma_wait3A_24 = tpu.memref_slice %arg2[%dma_wait3A_22, %dma_wait3A_23] : memref<8192x128xf32, #tpu.memory_space<hbm>> -> memref<8192x128xf32, #tpu.memory_space<hbm>>
    tpu.wait_indirect_dma semaphore(%arg7 : memref<!tpu.dma_semaphore, #tpu.memory_space<semaphore_mem>>) src(%dma_wait3A_24 : memref<8192x128xf32, #tpu.memory_space<hbm>>) dst(%arg6 : memref<128x128xf32, #tpu.memory_space<vmem>>)
    "tpu.region"() ({
      %run_scoped3A = tpu.sem_alloc : memref<!tpu.dma_semaphore, #tpu.memory_space<semaphore_mem>>
      %dma_start3A_97 = arith.constant 0 : i32
      %dma_start3A_98 = tpu.memref_slice %arg4[%add3A_18, %dma_start3A_97] : memref<49152x128xf32, #tpu.memory_space<hbm>> -> memref<128x128xf32, #tpu.memory_space<hbm>>
      %dma_start3A_99 = arith.constant 0 : i32
      %dma_start3A_100 = tpu.memref_slice %arg4[%add3A_18, %dma_start3A_99] : memref<49152x128xf32, #tpu.memory_space<hbm>> -> memref<128x128xf32, #tpu.memory_space<hbm>>
      tpu.enqueue_dma source(%arg6 : memref<128x128xf32, #tpu.memory_space<vmem>>) target(%dma_start3A_100 : memref<128x128xf32, #tpu.memory_space<hbm>>) target_semaphore(%run_scoped3A : memref<!tpu.dma_semaphore, #tpu.memory_space<semaphore_mem>>)
      %dma_wait3A_101 = arith.constant 0 : i32
      %dma_wait3A_102 = tpu.memref_slice %arg4[%add3A_18, %dma_wait3A_101] : memref<49152x128xf32, #tpu.memory_space<hbm>> -> memref<128x128xf32, #tpu.memory_space<hbm>>
      %dma_wait3A_103 = arith.constant 0 : i32
      %dma_wait3A_104 = tpu.memref_slice %arg4[%add3A_18, %dma_wait3A_103] : memref<49152x128xf32, #tpu.memory_space<hbm>> -> memref<128x128xf32, #tpu.memory_space<hbm>>
      tpu.wait_dma2 semaphore(%run_scoped3A : memref<!tpu.dma_semaphore, #tpu.memory_space<semaphore_mem>>) src(%arg6 : memref<128x128xf32, #tpu.memory_space<vmem>>) dst(%dma_wait3A_104 : memref<128x128xf32, #tpu.memory_space<hbm>>)
      tpu.yield
    }) : () -> ()
    %add3A_25 = arith.constant 384 : i32
    %add3A_26 = arith.addi %mul3A_2, %add3A_25 : i32
    "tpu.region"() ({
      %run_scoped3A = tpu.sem_alloc : memref<!tpu.dma_semaphore, #tpu.memory_space<semaphore_mem>>
      %dma_start3A_97 = tpu.memref_slice %arg3[%add3A_26] : memref<49152xi32, #tpu.memory_space<hbm>> -> memref<128xi32, #tpu.memory_space<hbm>>
      %dma_start3A_98 = tpu.memref_slice %arg3[%add3A_26] : memref<49152xi32, #tpu.memory_space<hbm>> -> memref<128xi32, #tpu.memory_space<hbm>>
      tpu.enqueue_dma source(%dma_start3A_98 : memref<128xi32, #tpu.memory_space<hbm>>) target(%arg5 : memref<128xi32, #tpu.memory_space<vmem>>) target_semaphore(%run_scoped3A : memref<!tpu.dma_semaphore, #tpu.memory_space<semaphore_mem>>)
      %dma_wait3A_99 = tpu.memref_slice %arg3[%add3A_26] : memref<49152xi32, #tpu.memory_space<hbm>> -> memref<128xi32, #tpu.memory_space<hbm>>
      %dma_wait3A_100 = tpu.memref_slice %arg3[%add3A_26] : memref<49152xi32, #tpu.memory_space<hbm>> -> memref<128xi32, #tpu.memory_space<hbm>>
      tpu.wait_dma2 semaphore(%run_scoped3A : memref<!tpu.dma_semaphore, #tpu.memory_space<semaphore_mem>>) src(%dma_wait3A_100 : memref<128xi32, #tpu.memory_space<hbm>>) dst(%arg5 : memref<128xi32, #tpu.memory_space<vmem>>)
      tpu.yield
    }) : () -> ()
    %dma_start3A_27 = arith.constant 0 : i32
    %dma_start3A_28 = arith.constant 0 : i32
    %dma_start3A_29 = tpu.memref_slice %arg2[%dma_start3A_27, %dma_start3A_28] : memref<8192x128xf32, #tpu.memory_space<hbm>> -> memref<8192x128xf32, #tpu.memory_space<hbm>>
    tpu.enqueue_indirect_dma source(%dma_start3A_29 : memref<8192x128xf32, #tpu.memory_space<hbm>>) target(%arg6 : memref<128x128xf32, #tpu.memory_space<vmem>>) offsets(%arg5 : memref<128xi32, #tpu.memory_space<vmem>>) semaphore(%arg7 : memref<!tpu.dma_semaphore, #tpu.memory_space<semaphore_mem>>)
    %dma_wait3A_30 = arith.constant 0 : i32
    %dma_wait3A_31 = arith.constant 0 : i32
    %dma_wait3A_32 = tpu.memref_slice %arg2[%dma_wait3A_30, %dma_wait3A_31] : memref<8192x128xf32, #tpu.memory_space<hbm>> -> memref<8192x128xf32, #tpu.memory_space<hbm>>
    tpu.wait_indirect_dma semaphore(%arg7 : memref<!tpu.dma_semaphore, #tpu.memory_space<semaphore_mem>>) src(%dma_wait3A_32 : memref<8192x128xf32, #tpu.memory_space<hbm>>) dst(%arg6 : memref<128x128xf32, #tpu.memory_space<vmem>>)
    "tpu.region"() ({
      %run_scoped3A = tpu.sem_alloc : memref<!tpu.dma_semaphore, #tpu.memory_space<semaphore_mem>>
      %dma_start3A_97 = arith.constant 0 : i32
      %dma_start3A_98 = tpu.memref_slice %arg4[%add3A_26, %dma_start3A_97] : memref<49152x128xf32, #tpu.memory_space<hbm>> -> memref<128x128xf32, #tpu.memory_space<hbm>>
      %dma_start3A_99 = arith.constant 0 : i32
      %dma_start3A_100 = tpu.memref_slice %arg4[%add3A_26, %dma_start3A_99] : memref<49152x128xf32, #tpu.memory_space<hbm>> -> memref<128x128xf32, #tpu.memory_space<hbm>>
      tpu.enqueue_dma source(%arg6 : memref<128x128xf32, #tpu.memory_space<vmem>>) target(%dma_start3A_100 : memref<128x128xf32, #tpu.memory_space<hbm>>) target_semaphore(%run_scoped3A : memref<!tpu.dma_semaphore, #tpu.memory_space<semaphore_mem>>)
      %dma_wait3A_101 = arith.constant 0 : i32
      %dma_wait3A_102 = tpu.memref_slice %arg4[%add3A_26, %dma_wait3A_101] : memref<49152x128xf32, #tpu.memory_space<hbm>> -> memref<128x128xf32, #tpu.memory_space<hbm>>
      %dma_wait3A_103 = arith.constant 0 : i32
      %dma_wait3A_104 = tpu.memref_slice %arg4[%add3A_26, %dma_wait3A_103] : memref<49152x128xf32, #tpu.memory_space<hbm>> -> memref<128x128xf32, #tpu.memory_space<hbm>>
      tpu.wait_dma2 semaphore(%run_scoped3A : memref<!tpu.dma_semaphore, #tpu.memory_space<semaphore_mem>>) src(%arg6 : memref<128x128xf32, #tpu.memory_space<vmem>>) dst(%dma_wait3A_104 : memref<128x128xf32, #tpu.memory_space<hbm>>)
      tpu.yield
    }) : () -> ()
    %add3A_33 = arith.constant 512 : i32
    %add3A_34 = arith.addi %mul3A_2, %add3A_33 : i32
    "tpu.region"() ({
      %run_scoped3A = tpu.sem_alloc : memref<!tpu.dma_semaphore, #tpu.memory_space<semaphore_mem>>
      %dma_start3A_97 = tpu.memref_slice %arg3[%add3A_34] : memref<49152xi32, #tpu.memory_space<hbm>> -> memref<128xi32, #tpu.memory_space<hbm>>
      %dma_start3A_98 = tpu.memref_slice %arg3[%add3A_34] : memref<49152xi32, #tpu.memory_space<hbm>> -> memref<128xi32, #tpu.memory_space<hbm>>
      tpu.enqueue_dma source(%dma_start3A_98 : memref<128xi32, #tpu.memory_space<hbm>>) target(%arg5 : memref<128xi32, #tpu.memory_space<vmem>>) target_semaphore(%run_scoped3A : memref<!tpu.dma_semaphore, #tpu.memory_space<semaphore_mem>>)
      %dma_wait3A_99 = tpu.memref_slice %arg3[%add3A_34] : memref<49152xi32, #tpu.memory_space<hbm>> -> memref<128xi32, #tpu.memory_space<hbm>>
      %dma_wait3A_100 = tpu.memref_slice %arg3[%add3A_34] : memref<49152xi32, #tpu.memory_space<hbm>> -> memref<128xi32, #tpu.memory_space<hbm>>
      tpu.wait_dma2 semaphore(%run_scoped3A : memref<!tpu.dma_semaphore, #tpu.memory_space<semaphore_mem>>) src(%dma_wait3A_100 : memref<128xi32, #tpu.memory_space<hbm>>) dst(%arg5 : memref<128xi32, #tpu.memory_space<vmem>>)
      tpu.yield
    }) : () -> ()
    %dma_start3A_35 = arith.constant 0 : i32
    %dma_start3A_36 = arith.constant 0 : i32
    %dma_start3A_37 = tpu.memref_slice %arg2[%dma_start3A_35, %dma_start3A_36] : memref<8192x128xf32, #tpu.memory_space<hbm>> -> memref<8192x128xf32, #tpu.memory_space<hbm>>
    tpu.enqueue_indirect_dma source(%dma_start3A_37 : memref<8192x128xf32, #tpu.memory_space<hbm>>) target(%arg6 : memref<128x128xf32, #tpu.memory_space<vmem>>) offsets(%arg5 : memref<128xi32, #tpu.memory_space<vmem>>) semaphore(%arg7 : memref<!tpu.dma_semaphore, #tpu.memory_space<semaphore_mem>>)
    %dma_wait3A_38 = arith.constant 0 : i32
    %dma_wait3A_39 = arith.constant 0 : i32
    %dma_wait3A_40 = tpu.memref_slice %arg2[%dma_wait3A_38, %dma_wait3A_39] : memref<8192x128xf32, #tpu.memory_space<hbm>> -> memref<8192x128xf32, #tpu.memory_space<hbm>>
    tpu.wait_indirect_dma semaphore(%arg7 : memref<!tpu.dma_semaphore, #tpu.memory_space<semaphore_mem>>) src(%dma_wait3A_40 : memref<8192x128xf32, #tpu.memory_space<hbm>>) dst(%arg6 : memref<128x128xf32, #tpu.memory_space<vmem>>)
    "tpu.region"() ({
      %run_scoped3A = tpu.sem_alloc : memref<!tpu.dma_semaphore, #tpu.memory_space<semaphore_mem>>
      %dma_start3A_97 = arith.constant 0 : i32
      %dma_start3A_98 = tpu.memref_slice %arg4[%add3A_34, %dma_start3A_97] : memref<49152x128xf32, #tpu.memory_space<hbm>> -> memref<128x128xf32, #tpu.memory_space<hbm>>
      %dma_start3A_99 = arith.constant 0 : i32
      %dma_start3A_100 = tpu.memref_slice %arg4[%add3A_34, %dma_start3A_99] : memref<49152x128xf32, #tpu.memory_space<hbm>> -> memref<128x128xf32, #tpu.memory_space<hbm>>
      tpu.enqueue_dma source(%arg6 : memref<128x128xf32, #tpu.memory_space<vmem>>) target(%dma_start3A_100 : memref<128x128xf32, #tpu.memory_space<hbm>>) target_semaphore(%run_scoped3A : memref<!tpu.dma_semaphore, #tpu.memory_space<semaphore_mem>>)
      %dma_wait3A_101 = arith.constant 0 : i32
      %dma_wait3A_102 = tpu.memref_slice %arg4[%add3A_34, %dma_wait3A_101] : memref<49152x128xf32, #tpu.memory_space<hbm>> -> memref<128x128xf32, #tpu.memory_space<hbm>>
      %dma_wait3A_103 = arith.constant 0 : i32
      %dma_wait3A_104 = tpu.memref_slice %arg4[%add3A_34, %dma_wait3A_103] : memref<49152x128xf32, #tpu.memory_space<hbm>> -> memref<128x128xf32, #tpu.memory_space<hbm>>
      tpu.wait_dma2 semaphore(%run_scoped3A : memref<!tpu.dma_semaphore, #tpu.memory_space<semaphore_mem>>) src(%arg6 : memref<128x128xf32, #tpu.memory_space<vmem>>) dst(%dma_wait3A_104 : memref<128x128xf32, #tpu.memory_space<hbm>>)
      tpu.yield
    }) : () -> ()
    %add3A_41 = arith.constant 640 : i32
    %add3A_42 = arith.addi %mul3A_2, %add3A_41 : i32
    "tpu.region"() ({
      %run_scoped3A = tpu.sem_alloc : memref<!tpu.dma_semaphore, #tpu.memory_space<semaphore_mem>>
      %dma_start3A_97 = tpu.memref_slice %arg3[%add3A_42] : memref<49152xi32, #tpu.memory_space<hbm>> -> memref<128xi32, #tpu.memory_space<hbm>>
      %dma_start3A_98 = tpu.memref_slice %arg3[%add3A_42] : memref<49152xi32, #tpu.memory_space<hbm>> -> memref<128xi32, #tpu.memory_space<hbm>>
      tpu.enqueue_dma source(%dma_start3A_98 : memref<128xi32, #tpu.memory_space<hbm>>) target(%arg5 : memref<128xi32, #tpu.memory_space<vmem>>) target_semaphore(%run_scoped3A : memref<!tpu.dma_semaphore, #tpu.memory_space<semaphore_mem>>)
      %dma_wait3A_99 = tpu.memref_slice %arg3[%add3A_42] : memref<49152xi32, #tpu.memory_space<hbm>> -> memref<128xi32, #tpu.memory_space<hbm>>
      %dma_wait3A_100 = tpu.memref_slice %arg3[%add3A_42] : memref<49152xi32, #tpu.memory_space<hbm>> -> memref<128xi32, #tpu.memory_space<hbm>>
      tpu.wait_dma2 semaphore(%run_scoped3A : memref<!tpu.dma_semaphore, #tpu.memory_space<semaphore_mem>>) src(%dma_wait3A_100 : memref<128xi32, #tpu.memory_space<hbm>>) dst(%arg5 : memref<128xi32, #tpu.memory_space<vmem>>)
      tpu.yield
    }) : () -> ()
    %dma_start3A_43 = arith.constant 0 : i32
    %dma_start3A_44 = arith.constant 0 : i32
    %dma_start3A_45 = tpu.memref_slice %arg2[%dma_start3A_43, %dma_start3A_44] : memref<8192x128xf32, #tpu.memory_space<hbm>> -> memref<8192x128xf32, #tpu.memory_space<hbm>>
    tpu.enqueue_indirect_dma source(%dma_start3A_45 : memref<8192x128xf32, #tpu.memory_space<hbm>>) target(%arg6 : memref<128x128xf32, #tpu.memory_space<vmem>>) offsets(%arg5 : memref<128xi32, #tpu.memory_space<vmem>>) semaphore(%arg7 : memref<!tpu.dma_semaphore, #tpu.memory_space<semaphore_mem>>)
    %dma_wait3A_46 = arith.constant 0 : i32
    %dma_wait3A_47 = arith.constant 0 : i32
    %dma_wait3A_48 = tpu.memref_slice %arg2[%dma_wait3A_46, %dma_wait3A_47] : memref<8192x128xf32, #tpu.memory_space<hbm>> -> memref<8192x128xf32, #tpu.memory_space<hbm>>
    tpu.wait_indirect_dma semaphore(%arg7 : memref<!tpu.dma_semaphore, #tpu.memory_space<semaphore_mem>>) src(%dma_wait3A_48 : memref<8192x128xf32, #tpu.memory_space<hbm>>) dst(%arg6 : memref<128x128xf32, #tpu.memory_space<vmem>>)
    "tpu.region"() ({
      %run_scoped3A = tpu.sem_alloc : memref<!tpu.dma_semaphore, #tpu.memory_space<semaphore_mem>>
      %dma_start3A_97 = arith.constant 0 : i32
      %dma_start3A_98 = tpu.memref_slice %arg4[%add3A_42, %dma_start3A_97] : memref<49152x128xf32, #tpu.memory_space<hbm>> -> memref<128x128xf32, #tpu.memory_space<hbm>>
      %dma_start3A_99 = arith.constant 0 : i32
      %dma_start3A_100 = tpu.memref_slice %arg4[%add3A_42, %dma_start3A_99] : memref<49152x128xf32, #tpu.memory_space<hbm>> -> memref<128x128xf32, #tpu.memory_space<hbm>>
      tpu.enqueue_dma source(%arg6 : memref<128x128xf32, #tpu.memory_space<vmem>>) target(%dma_start3A_100 : memref<128x128xf32, #tpu.memory_space<hbm>>) target_semaphore(%run_scoped3A : memref<!tpu.dma_semaphore, #tpu.memory_space<semaphore_mem>>)
      %dma_wait3A_101 = arith.constant 0 : i32
      %dma_wait3A_102 = tpu.memref_slice %arg4[%add3A_42, %dma_wait3A_101] : memref<49152x128xf32, #tpu.memory_space<hbm>> -> memref<128x128xf32, #tpu.memory_space<hbm>>
      %dma_wait3A_103 = arith.constant 0 : i32
      %dma_wait3A_104 = tpu.memref_slice %arg4[%add3A_42, %dma_wait3A_103] : memref<49152x128xf32, #tpu.memory_space<hbm>> -> memref<128x128xf32, #tpu.memory_space<hbm>>
      tpu.wait_dma2 semaphore(%run_scoped3A : memref<!tpu.dma_semaphore, #tpu.memory_space<semaphore_mem>>) src(%arg6 : memref<128x128xf32, #tpu.memory_space<vmem>>) dst(%dma_wait3A_104 : memref<128x128xf32, #tpu.memory_space<hbm>>)
      tpu.yield
    }) : () -> ()
    %add3A_49 = arith.constant 768 : i32
    %add3A_50 = arith.addi %mul3A_2, %add3A_49 : i32
    "tpu.region"() ({
      %run_scoped3A = tpu.sem_alloc : memref<!tpu.dma_semaphore, #tpu.memory_space<semaphore_mem>>
      %dma_start3A_97 = tpu.memref_slice %arg3[%add3A_50] : memref<49152xi32, #tpu.memory_space<hbm>> -> memref<128xi32, #tpu.memory_space<hbm>>
      %dma_start3A_98 = tpu.memref_slice %arg3[%add3A_50] : memref<49152xi32, #tpu.memory_space<hbm>> -> memref<128xi32, #tpu.memory_space<hbm>>
      tpu.enqueue_dma source(%dma_start3A_98 : memref<128xi32, #tpu.memory_space<hbm>>) target(%arg5 : memref<128xi32, #tpu.memory_space<vmem>>) target_semaphore(%run_scoped3A : memref<!tpu.dma_semaphore, #tpu.memory_space<semaphore_mem>>)
      %dma_wait3A_99 = tpu.memref_slice %arg3[%add3A_50] : memref<49152xi32, #tpu.memory_space<hbm>> -> memref<128xi32, #tpu.memory_space<hbm>>
      %dma_wait3A_100 = tpu.memref_slice %arg3[%add3A_50] : memref<49152xi32, #tpu.memory_space<hbm>> -> memref<128xi32, #tpu.memory_space<hbm>>
      tpu.wait_dma2 semaphore(%run_scoped3A : memref<!tpu.dma_semaphore, #tpu.memory_space<semaphore_mem>>) src(%dma_wait3A_100 : memref<128xi32, #tpu.memory_space<hbm>>) dst(%arg5 : memref<128xi32, #tpu.memory_space<vmem>>)
      tpu.yield
    }) : () -> ()
    %dma_start3A_51 = arith.constant 0 : i32
    %dma_start3A_52 = arith.constant 0 : i32
    %dma_start3A_53 = tpu.memref_slice %arg2[%dma_start3A_51, %dma_start3A_52] : memref<8192x128xf32, #tpu.memory_space<hbm>> -> memref<8192x128xf32, #tpu.memory_space<hbm>>
    tpu.enqueue_indirect_dma source(%dma_start3A_53 : memref<8192x128xf32, #tpu.memory_space<hbm>>) target(%arg6 : memref<128x128xf32, #tpu.memory_space<vmem>>) offsets(%arg5 : memref<128xi32, #tpu.memory_space<vmem>>) semaphore(%arg7 : memref<!tpu.dma_semaphore, #tpu.memory_space<semaphore_mem>>)
    %dma_wait3A_54 = arith.constant 0 : i32
    %dma_wait3A_55 = arith.constant 0 : i32
    %dma_wait3A_56 = tpu.memref_slice %arg2[%dma_wait3A_54, %dma_wait3A_55] : memref<8192x128xf32, #tpu.memory_space<hbm>> -> memref<8192x128xf32, #tpu.memory_space<hbm>>
    tpu.wait_indirect_dma semaphore(%arg7 : memref<!tpu.dma_semaphore, #tpu.memory_space<semaphore_mem>>) src(%dma_wait3A_56 : memref<8192x128xf32, #tpu.memory_space<hbm>>) dst(%arg6 : memref<128x128xf32, #tpu.memory_space<vmem>>)
    "tpu.region"() ({
      %run_scoped3A = tpu.sem_alloc : memref<!tpu.dma_semaphore, #tpu.memory_space<semaphore_mem>>
      %dma_start3A_97 = arith.constant 0 : i32
      %dma_start3A_98 = tpu.memref_slice %arg4[%add3A_50, %dma_start3A_97] : memref<49152x128xf32, #tpu.memory_space<hbm>> -> memref<128x128xf32, #tpu.memory_space<hbm>>
      %dma_start3A_99 = arith.constant 0 : i32
      %dma_start3A_100 = tpu.memref_slice %arg4[%add3A_50, %dma_start3A_99] : memref<49152x128xf32, #tpu.memory_space<hbm>> -> memref<128x128xf32, #tpu.memory_space<hbm>>
      tpu.enqueue_dma source(%arg6 : memref<128x128xf32, #tpu.memory_space<vmem>>) target(%dma_start3A_100 : memref<128x128xf32, #tpu.memory_space<hbm>>) target_semaphore(%run_scoped3A : memref<!tpu.dma_semaphore, #tpu.memory_space<semaphore_mem>>)
      %dma_wait3A_101 = arith.constant 0 : i32
      %dma_wait3A_102 = tpu.memref_slice %arg4[%add3A_50, %dma_wait3A_101] : memref<49152x128xf32, #tpu.memory_space<hbm>> -> memref<128x128xf32, #tpu.memory_space<hbm>>
      %dma_wait3A_103 = arith.constant 0 : i32
      %dma_wait3A_104 = tpu.memref_slice %arg4[%add3A_50, %dma_wait3A_103] : memref<49152x128xf32, #tpu.memory_space<hbm>> -> memref<128x128xf32, #tpu.memory_space<hbm>>
      tpu.wait_dma2 semaphore(%run_scoped3A : memref<!tpu.dma_semaphore, #tpu.memory_space<semaphore_mem>>) src(%arg6 : memref<128x128xf32, #tpu.memory_space<vmem>>) dst(%dma_wait3A_104 : memref<128x128xf32, #tpu.memory_space<hbm>>)
      tpu.yield
    }) : () -> ()
    %add3A_57 = arith.constant 896 : i32
    %add3A_58 = arith.addi %mul3A_2, %add3A_57 : i32
    "tpu.region"() ({
      %run_scoped3A = tpu.sem_alloc : memref<!tpu.dma_semaphore, #tpu.memory_space<semaphore_mem>>
      %dma_start3A_97 = tpu.memref_slice %arg3[%add3A_58] : memref<49152xi32, #tpu.memory_space<hbm>> -> memref<128xi32, #tpu.memory_space<hbm>>
      %dma_start3A_98 = tpu.memref_slice %arg3[%add3A_58] : memref<49152xi32, #tpu.memory_space<hbm>> -> memref<128xi32, #tpu.memory_space<hbm>>
      tpu.enqueue_dma source(%dma_start3A_98 : memref<128xi32, #tpu.memory_space<hbm>>) target(%arg5 : memref<128xi32, #tpu.memory_space<vmem>>) target_semaphore(%run_scoped3A : memref<!tpu.dma_semaphore, #tpu.memory_space<semaphore_mem>>)
      %dma_wait3A_99 = tpu.memref_slice %arg3[%add3A_58] : memref<49152xi32, #tpu.memory_space<hbm>> -> memref<128xi32, #tpu.memory_space<hbm>>
      %dma_wait3A_100 = tpu.memref_slice %arg3[%add3A_58] : memref<49152xi32, #tpu.memory_space<hbm>> -> memref<128xi32, #tpu.memory_space<hbm>>
      tpu.wait_dma2 semaphore(%run_scoped3A : memref<!tpu.dma_semaphore, #tpu.memory_space<semaphore_mem>>) src(%dma_wait3A_100 : memref<128xi32, #tpu.memory_space<hbm>>) dst(%arg5 : memref<128xi32, #tpu.memory_space<vmem>>)
      tpu.yield
    }) : () -> ()
    %dma_start3A_59 = arith.constant 0 : i32
    %dma_start3A_60 = arith.constant 0 : i32
    %dma_start3A_61 = tpu.memref_slice %arg2[%dma_start3A_59, %dma_start3A_60] : memref<8192x128xf32, #tpu.memory_space<hbm>> -> memref<8192x128xf32, #tpu.memory_space<hbm>>
    tpu.enqueue_indirect_dma source(%dma_start3A_61 : memref<8192x128xf32, #tpu.memory_space<hbm>>) target(%arg6 : memref<128x128xf32, #tpu.memory_space<vmem>>) offsets(%arg5 : memref<128xi32, #tpu.memory_space<vmem>>) semaphore(%arg7 : memref<!tpu.dma_semaphore, #tpu.memory_space<semaphore_mem>>)
    %dma_wait3A_62 = arith.constant 0 : i32
    %dma_wait3A_63 = arith.constant 0 : i32
    %dma_wait3A_64 = tpu.memref_slice %arg2[%dma_wait3A_62, %dma_wait3A_63] : memref<8192x128xf32, #tpu.memory_space<hbm>> -> memref<8192x128xf32, #tpu.memory_space<hbm>>
    tpu.wait_indirect_dma semaphore(%arg7 : memref<!tpu.dma_semaphore, #tpu.memory_space<semaphore_mem>>) src(%dma_wait3A_64 : memref<8192x128xf32, #tpu.memory_space<hbm>>) dst(%arg6 : memref<128x128xf32, #tpu.memory_space<vmem>>)
    "tpu.region"() ({
      %run_scoped3A = tpu.sem_alloc : memref<!tpu.dma_semaphore, #tpu.memory_space<semaphore_mem>>
      %dma_start3A_97 = arith.constant 0 : i32
      %dma_start3A_98 = tpu.memref_slice %arg4[%add3A_58, %dma_start3A_97] : memref<49152x128xf32, #tpu.memory_space<hbm>> -> memref<128x128xf32, #tpu.memory_space<hbm>>
      %dma_start3A_99 = arith.constant 0 : i32
      %dma_start3A_100 = tpu.memref_slice %arg4[%add3A_58, %dma_start3A_99] : memref<49152x128xf32, #tpu.memory_space<hbm>> -> memref<128x128xf32, #tpu.memory_space<hbm>>
      tpu.enqueue_dma source(%arg6 : memref<128x128xf32, #tpu.memory_space<vmem>>) target(%dma_start3A_100 : memref<128x128xf32, #tpu.memory_space<hbm>>) target_semaphore(%run_scoped3A : memref<!tpu.dma_semaphore, #tpu.memory_space<semaphore_mem>>)
      %dma_wait3A_101 = arith.constant 0 : i32
      %dma_wait3A_102 = tpu.memref_slice %arg4[%add3A_58, %dma_wait3A_101] : memref<49152x128xf32, #tpu.memory_space<hbm>> -> memref<128x128xf32, #tpu.memory_space<hbm>>
      %dma_wait3A_103 = arith.constant 0 : i32
      %dma_wait3A_104 = tpu.memref_slice %arg4[%add3A_58, %dma_wait3A_103] : memref<49152x128xf32, #tpu.memory_space<hbm>> -> memref<128x128xf32, #tpu.memory_space<hbm>>
      tpu.wait_dma2 semaphore(%run_scoped3A : memref<!tpu.dma_semaphore, #tpu.memory_space<semaphore_mem>>) src(%arg6 : memref<128x128xf32, #tpu.memory_space<vmem>>) dst(%dma_wait3A_104 : memref<128x128xf32, #tpu.memory_space<hbm>>)
      tpu.yield
    }) : () -> ()
    %add3A_65 = arith.constant 1024 : i32
    %add3A_66 = arith.addi %mul3A_2, %add3A_65 : i32
    "tpu.region"() ({
      %run_scoped3A = tpu.sem_alloc : memref<!tpu.dma_semaphore, #tpu.memory_space<semaphore_mem>>
      %dma_start3A_97 = tpu.memref_slice %arg3[%add3A_66] : memref<49152xi32, #tpu.memory_space<hbm>> -> memref<128xi32, #tpu.memory_space<hbm>>
      %dma_start3A_98 = tpu.memref_slice %arg3[%add3A_66] : memref<49152xi32, #tpu.memory_space<hbm>> -> memref<128xi32, #tpu.memory_space<hbm>>
      tpu.enqueue_dma source(%dma_start3A_98 : memref<128xi32, #tpu.memory_space<hbm>>) target(%arg5 : memref<128xi32, #tpu.memory_space<vmem>>) target_semaphore(%run_scoped3A : memref<!tpu.dma_semaphore, #tpu.memory_space<semaphore_mem>>)
      %dma_wait3A_99 = tpu.memref_slice %arg3[%add3A_66] : memref<49152xi32, #tpu.memory_space<hbm>> -> memref<128xi32, #tpu.memory_space<hbm>>
      %dma_wait3A_100 = tpu.memref_slice %arg3[%add3A_66] : memref<49152xi32, #tpu.memory_space<hbm>> -> memref<128xi32, #tpu.memory_space<hbm>>
      tpu.wait_dma2 semaphore(%run_scoped3A : memref<!tpu.dma_semaphore, #tpu.memory_space<semaphore_mem>>) src(%dma_wait3A_100 : memref<128xi32, #tpu.memory_space<hbm>>) dst(%arg5 : memref<128xi32, #tpu.memory_space<vmem>>)
      tpu.yield
    }) : () -> ()
    %dma_start3A_67 = arith.constant 0 : i32
    %dma_start3A_68 = arith.constant 0 : i32
    %dma_start3A_69 = tpu.memref_slice %arg2[%dma_start3A_67, %dma_start3A_68] : memref<8192x128xf32, #tpu.memory_space<hbm>> -> memref<8192x128xf32, #tpu.memory_space<hbm>>
    tpu.enqueue_indirect_dma source(%dma_start3A_69 : memref<8192x128xf32, #tpu.memory_space<hbm>>) target(%arg6 : memref<128x128xf32, #tpu.memory_space<vmem>>) offsets(%arg5 : memref<128xi32, #tpu.memory_space<vmem>>) semaphore(%arg7 : memref<!tpu.dma_semaphore, #tpu.memory_space<semaphore_mem>>)
    %dma_wait3A_70 = arith.constant 0 : i32
    %dma_wait3A_71 = arith.constant 0 : i32
    %dma_wait3A_72 = tpu.memref_slice %arg2[%dma_wait3A_70, %dma_wait3A_71] : memref<8192x128xf32, #tpu.memory_space<hbm>> -> memref<8192x128xf32, #tpu.memory_space<hbm>>
    tpu.wait_indirect_dma semaphore(%arg7 : memref<!tpu.dma_semaphore, #tpu.memory_space<semaphore_mem>>) src(%dma_wait3A_72 : memref<8192x128xf32, #tpu.memory_space<hbm>>) dst(%arg6 : memref<128x128xf32, #tpu.memory_space<vmem>>)
    "tpu.region"() ({
      %run_scoped3A = tpu.sem_alloc : memref<!tpu.dma_semaphore, #tpu.memory_space<semaphore_mem>>
      %dma_start3A_97 = arith.constant 0 : i32
      %dma_start3A_98 = tpu.memref_slice %arg4[%add3A_66, %dma_start3A_97] : memref<49152x128xf32, #tpu.memory_space<hbm>> -> memref<128x128xf32, #tpu.memory_space<hbm>>
      %dma_start3A_99 = arith.constant 0 : i32
      %dma_start3A_100 = tpu.memref_slice %arg4[%add3A_66, %dma_start3A_99] : memref<49152x128xf32, #tpu.memory_space<hbm>> -> memref<128x128xf32, #tpu.memory_space<hbm>>
      tpu.enqueue_dma source(%arg6 : memref<128x128xf32, #tpu.memory_space<vmem>>) target(%dma_start3A_100 : memref<128x128xf32, #tpu.memory_space<hbm>>) target_semaphore(%run_scoped3A : memref<!tpu.dma_semaphore, #tpu.memory_space<semaphore_mem>>)
      %dma_wait3A_101 = arith.constant 0 : i32
      %dma_wait3A_102 = tpu.memref_slice %arg4[%add3A_66, %dma_wait3A_101] : memref<49152x128xf32, #tpu.memory_space<hbm>> -> memref<128x128xf32, #tpu.memory_space<hbm>>
      %dma_wait3A_103 = arith.constant 0 : i32
      %dma_wait3A_104 = tpu.memref_slice %arg4[%add3A_66, %dma_wait3A_103] : memref<49152x128xf32, #tpu.memory_space<hbm>> -> memref<128x128xf32, #tpu.memory_space<hbm>>
      tpu.wait_dma2 semaphore(%run_scoped3A : memref<!tpu.dma_semaphore, #tpu.memory_space<semaphore_mem>>) src(%arg6 : memref<128x128xf32, #tpu.memory_space<vmem>>) dst(%dma_wait3A_104 : memref<128x128xf32, #tpu.memory_space<hbm>>)
      tpu.yield
    }) : () -> ()
    %add3A_73 = arith.constant 1152 : i32
    %add3A_74 = arith.addi %mul3A_2, %add3A_73 : i32
    "tpu.region"() ({
      %run_scoped3A = tpu.sem_alloc : memref<!tpu.dma_semaphore, #tpu.memory_space<semaphore_mem>>
      %dma_start3A_97 = tpu.memref_slice %arg3[%add3A_74] : memref<49152xi32, #tpu.memory_space<hbm>> -> memref<128xi32, #tpu.memory_space<hbm>>
      %dma_start3A_98 = tpu.memref_slice %arg3[%add3A_74] : memref<49152xi32, #tpu.memory_space<hbm>> -> memref<128xi32, #tpu.memory_space<hbm>>
      tpu.enqueue_dma source(%dma_start3A_98 : memref<128xi32, #tpu.memory_space<hbm>>) target(%arg5 : memref<128xi32, #tpu.memory_space<vmem>>) target_semaphore(%run_scoped3A : memref<!tpu.dma_semaphore, #tpu.memory_space<semaphore_mem>>)
      %dma_wait3A_99 = tpu.memref_slice %arg3[%add3A_74] : memref<49152xi32, #tpu.memory_space<hbm>> -> memref<128xi32, #tpu.memory_space<hbm>>
      %dma_wait3A_100 = tpu.memref_slice %arg3[%add3A_74] : memref<49152xi32, #tpu.memory_space<hbm>> -> memref<128xi32, #tpu.memory_space<hbm>>
      tpu.wait_dma2 semaphore(%run_scoped3A : memref<!tpu.dma_semaphore, #tpu.memory_space<semaphore_mem>>) src(%dma_wait3A_100 : memref<128xi32, #tpu.memory_space<hbm>>) dst(%arg5 : memref<128xi32, #tpu.memory_space<vmem>>)
      tpu.yield
    }) : () -> ()
    %dma_start3A_75 = arith.constant 0 : i32
    %dma_start3A_76 = arith.constant 0 : i32
    %dma_start3A_77 = tpu.memref_slice %arg2[%dma_start3A_75, %dma_start3A_76] : memref<8192x128xf32, #tpu.memory_space<hbm>> -> memref<8192x128xf32, #tpu.memory_space<hbm>>
    tpu.enqueue_indirect_dma source(%dma_start3A_77 : memref<8192x128xf32, #tpu.memory_space<hbm>>) target(%arg6 : memref<128x128xf32, #tpu.memory_space<vmem>>) offsets(%arg5 : memref<128xi32, #tpu.memory_space<vmem>>) semaphore(%arg7 : memref<!tpu.dma_semaphore, #tpu.memory_space<semaphore_mem>>)
    %dma_wait3A_78 = arith.constant 0 : i32
    %dma_wait3A_79 = arith.constant 0 : i32
    %dma_wait3A_80 = tpu.memref_slice %arg2[%dma_wait3A_78, %dma_wait3A_79] : memref<8192x128xf32, #tpu.memory_space<hbm>> -> memref<8192x128xf32, #tpu.memory_space<hbm>>
    tpu.wait_indirect_dma semaphore(%arg7 : memref<!tpu.dma_semaphore, #tpu.memory_space<semaphore_mem>>) src(%dma_wait3A_80 : memref<8192x128xf32, #tpu.memory_space<hbm>>) dst(%arg6 : memref<128x128xf32, #tpu.memory_space<vmem>>)
    "tpu.region"() ({
      %run_scoped3A = tpu.sem_alloc : memref<!tpu.dma_semaphore, #tpu.memory_space<semaphore_mem>>
      %dma_start3A_97 = arith.constant 0 : i32
      %dma_start3A_98 = tpu.memref_slice %arg4[%add3A_74, %dma_start3A_97] : memref<49152x128xf32, #tpu.memory_space<hbm>> -> memref<128x128xf32, #tpu.memory_space<hbm>>
      %dma_start3A_99 = arith.constant 0 : i32
      %dma_start3A_100 = tpu.memref_slice %arg4[%add3A_74, %dma_start3A_99] : memref<49152x128xf32, #tpu.memory_space<hbm>> -> memref<128x128xf32, #tpu.memory_space<hbm>>
      tpu.enqueue_dma source(%arg6 : memref<128x128xf32, #tpu.memory_space<vmem>>) target(%dma_start3A_100 : memref<128x128xf32, #tpu.memory_space<hbm>>) target_semaphore(%run_scoped3A : memref<!tpu.dma_semaphore, #tpu.memory_space<semaphore_mem>>)
      %dma_wait3A_101 = arith.constant 0 : i32
      %dma_wait3A_102 = tpu.memref_slice %arg4[%add3A_74, %dma_wait3A_101] : memref<49152x128xf32, #tpu.memory_space<hbm>> -> memref<128x128xf32, #tpu.memory_space<hbm>>
      %dma_wait3A_103 = arith.constant 0 : i32
      %dma_wait3A_104 = tpu.memref_slice %arg4[%add3A_74, %dma_wait3A_103] : memref<49152x128xf32, #tpu.memory_space<hbm>> -> memref<128x128xf32, #tpu.memory_space<hbm>>
      tpu.wait_dma2 semaphore(%run_scoped3A : memref<!tpu.dma_semaphore, #tpu.memory_space<semaphore_mem>>) src(%arg6 : memref<128x128xf32, #tpu.memory_space<vmem>>) dst(%dma_wait3A_104 : memref<128x128xf32, #tpu.memory_space<hbm>>)
      tpu.yield
    }) : () -> ()
    %add3A_81 = arith.constant 1280 : i32
    %add3A_82 = arith.addi %mul3A_2, %add3A_81 : i32
    "tpu.region"() ({
      %run_scoped3A = tpu.sem_alloc : memref<!tpu.dma_semaphore, #tpu.memory_space<semaphore_mem>>
      %dma_start3A_97 = tpu.memref_slice %arg3[%add3A_82] : memref<49152xi32, #tpu.memory_space<hbm>> -> memref<128xi32, #tpu.memory_space<hbm>>
      %dma_start3A_98 = tpu.memref_slice %arg3[%add3A_82] : memref<49152xi32, #tpu.memory_space<hbm>> -> memref<128xi32, #tpu.memory_space<hbm>>
      tpu.enqueue_dma source(%dma_start3A_98 : memref<128xi32, #tpu.memory_space<hbm>>) target(%arg5 : memref<128xi32, #tpu.memory_space<vmem>>) target_semaphore(%run_scoped3A : memref<!tpu.dma_semaphore, #tpu.memory_space<semaphore_mem>>)
      %dma_wait3A_99 = tpu.memref_slice %arg3[%add3A_82] : memref<49152xi32, #tpu.memory_space<hbm>> -> memref<128xi32, #tpu.memory_space<hbm>>
      %dma_wait3A_100 = tpu.memref_slice %arg3[%add3A_82] : memref<49152xi32, #tpu.memory_space<hbm>> -> memref<128xi32, #tpu.memory_space<hbm>>
      tpu.wait_dma2 semaphore(%run_scoped3A : memref<!tpu.dma_semaphore, #tpu.memory_space<semaphore_mem>>) src(%dma_wait3A_100 : memref<128xi32, #tpu.memory_space<hbm>>) dst(%arg5 : memref<128xi32, #tpu.memory_space<vmem>>)
      tpu.yield
    }) : () -> ()
    %dma_start3A_83 = arith.constant 0 : i32
    %dma_start3A_84 = arith.constant 0 : i32
    %dma_start3A_85 = tpu.memref_slice %arg2[%dma_start3A_83, %dma_start3A_84] : memref<8192x128xf32, #tpu.memory_space<hbm>> -> memref<8192x128xf32, #tpu.memory_space<hbm>>
    tpu.enqueue_indirect_dma source(%dma_start3A_85 : memref<8192x128xf32, #tpu.memory_space<hbm>>) target(%arg6 : memref<128x128xf32, #tpu.memory_space<vmem>>) offsets(%arg5 : memref<128xi32, #tpu.memory_space<vmem>>) semaphore(%arg7 : memref<!tpu.dma_semaphore, #tpu.memory_space<semaphore_mem>>)
    %dma_wait3A_86 = arith.constant 0 : i32
    %dma_wait3A_87 = arith.constant 0 : i32
    %dma_wait3A_88 = tpu.memref_slice %arg2[%dma_wait3A_86, %dma_wait3A_87] : memref<8192x128xf32, #tpu.memory_space<hbm>> -> memref<8192x128xf32, #tpu.memory_space<hbm>>
    tpu.wait_indirect_dma semaphore(%arg7 : memref<!tpu.dma_semaphore, #tpu.memory_space<semaphore_mem>>) src(%dma_wait3A_88 : memref<8192x128xf32, #tpu.memory_space<hbm>>) dst(%arg6 : memref<128x128xf32, #tpu.memory_space<vmem>>)
    "tpu.region"() ({
      %run_scoped3A = tpu.sem_alloc : memref<!tpu.dma_semaphore, #tpu.memory_space<semaphore_mem>>
      %dma_start3A_97 = arith.constant 0 : i32
      %dma_start3A_98 = tpu.memref_slice %arg4[%add3A_82, %dma_start3A_97] : memref<49152x128xf32, #tpu.memory_space<hbm>> -> memref<128x128xf32, #tpu.memory_space<hbm>>
      %dma_start3A_99 = arith.constant 0 : i32
      %dma_start3A_100 = tpu.memref_slice %arg4[%add3A_82, %dma_start3A_99] : memref<49152x128xf32, #tpu.memory_space<hbm>> -> memref<128x128xf32, #tpu.memory_space<hbm>>
      tpu.enqueue_dma source(%arg6 : memref<128x128xf32, #tpu.memory_space<vmem>>) target(%dma_start3A_100 : memref<128x128xf32, #tpu.memory_space<hbm>>) target_semaphore(%run_scoped3A : memref<!tpu.dma_semaphore, #tpu.memory_space<semaphore_mem>>)
      %dma_wait3A_101 = arith.constant 0 : i32
      %dma_wait3A_102 = tpu.memref_slice %arg4[%add3A_82, %dma_wait3A_101] : memref<49152x128xf32, #tpu.memory_space<hbm>> -> memref<128x128xf32, #tpu.memory_space<hbm>>
      %dma_wait3A_103 = arith.constant 0 : i32
      %dma_wait3A_104 = tpu.memref_slice %arg4[%add3A_82, %dma_wait3A_103] : memref<49152x128xf32, #tpu.memory_space<hbm>> -> memref<128x128xf32, #tpu.memory_space<hbm>>
      tpu.wait_dma2 semaphore(%run_scoped3A : memref<!tpu.dma_semaphore, #tpu.memory_space<semaphore_mem>>) src(%arg6 : memref<128x128xf32, #tpu.memory_space<vmem>>) dst(%dma_wait3A_104 : memref<128x128xf32, #tpu.memory_space<hbm>>)
      tpu.yield
    }) : () -> ()
    %add3A_89 = arith.constant 1408 : i32
    %add3A_90 = arith.addi %mul3A_2, %add3A_89 : i32
    "tpu.region"() ({
      %run_scoped3A = tpu.sem_alloc : memref<!tpu.dma_semaphore, #tpu.memory_space<semaphore_mem>>
      %dma_start3A_97 = tpu.memref_slice %arg3[%add3A_90] : memref<49152xi32, #tpu.memory_space<hbm>> -> memref<128xi32, #tpu.memory_space<hbm>>
      %dma_start3A_98 = tpu.memref_slice %arg3[%add3A_90] : memref<49152xi32, #tpu.memory_space<hbm>> -> memref<128xi32, #tpu.memory_space<hbm>>
      tpu.enqueue_dma source(%dma_start3A_98 : memref<128xi32, #tpu.memory_space<hbm>>) target(%arg5 : memref<128xi32, #tpu.memory_space<vmem>>) target_semaphore(%run_scoped3A : memref<!tpu.dma_semaphore, #tpu.memory_space<semaphore_mem>>)
      %dma_wait3A_99 = tpu.memref_slice %arg3[%add3A_90] : memref<49152xi32, #tpu.memory_space<hbm>> -> memref<128xi32, #tpu.memory_space<hbm>>
      %dma_wait3A_100 = tpu.memref_slice %arg3[%add3A_90] : memref<49152xi32, #tpu.memory_space<hbm>> -> memref<128xi32, #tpu.memory_space<hbm>>
      tpu.wait_dma2 semaphore(%run_scoped3A : memref<!tpu.dma_semaphore, #tpu.memory_space<semaphore_mem>>) src(%dma_wait3A_100 : memref<128xi32, #tpu.memory_space<hbm>>) dst(%arg5 : memref<128xi32, #tpu.memory_space<vmem>>)
      tpu.yield
    }) : () -> ()
    %dma_start3A_91 = arith.constant 0 : i32
    %dma_start3A_92 = arith.constant 0 : i32
    %dma_start3A_93 = tpu.memref_slice %arg2[%dma_start3A_91, %dma_start3A_92] : memref<8192x128xf32, #tpu.memory_space<hbm>> -> memref<8192x128xf32, #tpu.memory_space<hbm>>
    tpu.enqueue_indirect_dma source(%dma_start3A_93 : memref<8192x128xf32, #tpu.memory_space<hbm>>) target(%arg6 : memref<128x128xf32, #tpu.memory_space<vmem>>) offsets(%arg5 : memref<128xi32, #tpu.memory_space<vmem>>) semaphore(%arg7 : memref<!tpu.dma_semaphore, #tpu.memory_space<semaphore_mem>>)
    %dma_wait3A_94 = arith.constant 0 : i32
    %dma_wait3A_95 = arith.constant 0 : i32
    %dma_wait3A_96 = tpu.memref_slice %arg2[%dma_wait3A_94, %dma_wait3A_95] : memref<8192x128xf32, #tpu.memory_space<hbm>> -> memref<8192x128xf32, #tpu.memory_space<hbm>>
    tpu.wait_indirect_dma semaphore(%arg7 : memref<!tpu.dma_semaphore, #tpu.memory_space<semaphore_mem>>) src(%dma_wait3A_96 : memref<8192x128xf32, #tpu.memory_space<hbm>>) dst(%arg6 : memref<128x128xf32, #tpu.memory_space<vmem>>)
    "tpu.region"() ({
      %run_scoped3A = tpu.sem_alloc : memref<!tpu.dma_semaphore, #tpu.memory_space<semaphore_mem>>
      %dma_start3A_97 = arith.constant 0 : i32
      %dma_start3A_98 = tpu.memref_slice %arg4[%add3A_90, %dma_start3A_97] : memref<49152x128xf32, #tpu.memory_space<hbm>> -> memref<128x128xf32, #tpu.memory_space<hbm>>
      %dma_start3A_99 = arith.constant 0 : i32
      %dma_start3A_100 = tpu.memref_slice %arg4[%add3A_90, %dma_start3A_99] : memref<49152x128xf32, #tpu.memory_space<hbm>> -> memref<128x128xf32, #tpu.memory_space<hbm>>
      tpu.enqueue_dma source(%arg6 : memref<128x128xf32, #tpu.memory_space<vmem>>) target(%dma_start3A_100 : memref<128x128xf32, #tpu.memory_space<hbm>>) target_semaphore(%run_scoped3A : memref<!tpu.dma_semaphore, #tpu.memory_space<semaphore_mem>>)
      %dma_wait3A_101 = arith.constant 0 : i32
      %dma_wait3A_102 = tpu.memref_slice %arg4[%add3A_90, %dma_wait3A_101] : memref<49152x128xf32, #tpu.memory_space<hbm>> -> memref<128x128xf32, #tpu.memory_space<hbm>>
      %dma_wait3A_103 = arith.constant 0 : i32
      %dma_wait3A_104 = tpu.memref_slice %arg4[%add3A_90, %dma_wait3A_103] : memref<49152x128xf32, #tpu.memory_space<hbm>> -> memref<128x128xf32, #tpu.memory_space<hbm>>
      tpu.wait_dma2 semaphore(%run_scoped3A : memref<!tpu.dma_semaphore, #tpu.memory_space<semaphore_mem>>) src(%arg6 : memref<128x128xf32, #tpu.memory_space<vmem>>) dst(%dma_wait3A_104 : memref<128x128xf32, #tpu.memory_space<hbm>>)
      tpu.yield
    }) : () -> ()
    return
  }
}

module attributes {stable_mosaic.version = 14 : i64} {
  func.func @_semantic_body(%arg0: i32, %arg1: memref<1x2048x128xf32, #tpu.memory_space<vmem>>, %arg2: memref<128x128xf32, #tpu.memory_space<vmem>>, %arg3: memref<1x128xf32, #tpu.memory_space<vmem>>, %arg4: memref<128x20xf32, #tpu.memory_space<vmem>>, %arg5: memref<1x20xf32, #tpu.memory_space<vmem>>, %arg6: memref<1x2048x20xf32, #tpu.memory_space<vmem>>, %arg7: memref<1x2048x20xf32, #tpu.memory_space<vmem>>) attributes {dimension_semantics = [#tpu.dimension_semantics<arbitrary>], iteration_bounds = array<i64: 4>, scalar_prefetch = 0 : i64, scratch_operands = 0 : i64, tpu.core_type = #tpu.core_type<tc>, window_params = [{transform_indices = @transform_0, window_bounds = array<i64: 1, 2048, 128>}, {pipeline_mode = #tpu.pipeline_mode<synchronous>, transform_indices = @transform_1, window_bounds = array<i64: 128, 128>}, {pipeline_mode = #tpu.pipeline_mode<synchronous>, transform_indices = @transform_2, window_bounds = array<i64: 1, 128>}, {pipeline_mode = #tpu.pipeline_mode<synchronous>, transform_indices = @transform_3, window_bounds = array<i64: 128, 20>}, {pipeline_mode = #tpu.pipeline_mode<synchronous>, transform_indices = @transform_4, window_bounds = array<i64: 1, 20>}, {transform_indices = @transform_5, window_bounds = array<i64: 1, 2048, 20>}, {transform_indices = @transform_6, window_bounds = array<i64: 1, 2048, 20>}]} {
    %get3A = arith.constant 0 : index
    %get3A_0 = arith.constant 0 : index
    %get3A_1 = arith.constant 0 : index
    %get3A_2 = vector.load %arg1[%get3A, %get3A_0, %get3A_1] : memref<1x2048x128xf32, #tpu.memory_space<vmem>>, vector<1x2048x128xf32>
    %get3A_3 = vector.shape_cast %get3A_2 : vector<1x2048x128xf32> to vector<2048x128xf32>
    %get3A_4 = arith.constant 0 : index
    %get3A_5 = arith.constant 0 : index
    %get3A_6 = vector.load %arg2[%get3A_4, %get3A_5] : memref<128x128xf32, #tpu.memory_space<vmem>>, vector<128x128xf32>
    %convert_element_type3A = arith.truncf %get3A_3 : vector<2048x128xf32> to vector<2048x128xbf16>
    %convert_element_type3A_7 = arith.truncf %get3A_6 : vector<128x128xf32> to vector<128x128xbf16>
    %dot_general3A = arith.constant dense<0.000000e+00> : vector<2048x128xf32>
    %dot_general3A_8 = tpu.matmul %convert_element_type3A, %convert_element_type3A_7, %dot_general3A {dimension_numbers = #tpu.dot_dimension_numbers<[1], [0], [0], [1], [0, 0, 1, 1], [], []>, transpose_lhs_hint = false} : vector<2048x128xbf16>, vector<128x128xbf16>, vector<2048x128xf32> -> vector<2048x128xf32>
    %get3A_9 = arith.constant 0 : index
    %get3A_10 = arith.constant 0 : index
    %get3A_11 = vector.load %arg3[%get3A_9, %get3A_10] : memref<1x128xf32, #tpu.memory_space<vmem>>, vector<1x128xf32>
    %add3A = vector.broadcast %get3A_11 : vector<1x128xf32> to vector<2048x128xf32>
    %add3A_12 = arith.addf %dot_general3A_8, %add3A : vector<2048x128xf32>
    %max3A = arith.constant 0.000000e+00 : f32
    %max3A_13 = vector.broadcast %max3A : f32 to vector<2048x128xf32>
    %max3A_14 = arith.maximumf %add3A_12, %max3A_13 : vector<2048x128xf32>
    %get3A_15 = arith.constant 0 : index
    %get3A_16 = arith.constant 0 : index
    %get3A_17 = vector.load %arg4[%get3A_15, %get3A_16] : memref<128x20xf32, #tpu.memory_space<vmem>>, vector<128x20xf32>
    %convert_element_type3A_18 = arith.truncf %max3A_14 : vector<2048x128xf32> to vector<2048x128xbf16>
    %convert_element_type3A_19 = arith.truncf %get3A_17 : vector<128x20xf32> to vector<128x20xbf16>
    %dot_general3A_20 = arith.constant dense<0.000000e+00> : vector<2048x20xf32>
    %dot_general3A_21 = tpu.matmul %convert_element_type3A_18, %convert_element_type3A_19, %dot_general3A_20 {dimension_numbers = #tpu.dot_dimension_numbers<[1], [0], [0], [1], [0, 0, 1, 1], [], []>, transpose_lhs_hint = false} : vector<2048x128xbf16>, vector<128x20xbf16>, vector<2048x20xf32> -> vector<2048x20xf32>
    %get3A_22 = arith.constant 0 : index
    %get3A_23 = arith.constant 0 : index
    %get3A_24 = vector.load %arg5[%get3A_22, %get3A_23] : memref<1x20xf32, #tpu.memory_space<vmem>>, vector<1x20xf32>
    %add3A_25 = vector.broadcast %get3A_24 : vector<1x20xf32> to vector<2048x20xf32>
    %add3A_26 = arith.addf %dot_general3A_21, %add3A_25 : vector<2048x20xf32>
    %swap3A = arith.constant 0 : index
    %swap3A_27 = arith.constant 0 : index
    %swap3A_28 = arith.constant 0 : index
    %swap3A_29 = vector.load %arg6[%swap3A, %swap3A_27, %swap3A_28] : memref<1x2048x20xf32, #tpu.memory_space<vmem>>, vector<1x2048x20xf32>
    %swap3A_30 = vector.shape_cast %swap3A_29 : vector<1x2048x20xf32> to vector<2048x20xf32>
    %swap3A_31 = vector.shape_cast %add3A_26 : vector<2048x20xf32> to vector<1x2048x20xf32>
    tpu.vector_store %arg6[%swap3A, %swap3A_27, %swap3A_28], %swap3A_31 {strides = array<i32>} : memref<1x2048x20xf32, #tpu.memory_space<vmem>>, vector<1x2048x20xf32>,
    %reduce_max3A = arith.constant dense<0xFF800000> : vector<2048xf32>
    %reduce_max3A_32 = vector.multi_reduction <maximumf>, %add3A_26, %reduce_max3A [1] : vector<2048x20xf32> to vector<2048xf32>
    %broadcast_in_dim3A = vector.shape_cast %reduce_max3A_32 : vector<2048xf32> to vector<2048x1xf32>
    %sub3A = vector.broadcast %broadcast_in_dim3A : vector<2048x1xf32> to vector<2048x20xf32>
    %sub3A_33 = arith.subf %add3A_26, %sub3A : vector<2048x20xf32>
    %exp3A = math.exp %sub3A_33 : vector<2048x20xf32>
    %reduce_sum3A = arith.constant dense<0.000000e+00> : vector<2048xf32>
    %reduce_sum3A_34 = vector.multi_reduction <add>, %exp3A, %reduce_sum3A [1] : vector<2048x20xf32> to vector<2048xf32>
    %broadcast_in_dim3A_35 = vector.shape_cast %reduce_sum3A_34 : vector<2048xf32> to vector<2048x1xf32>
    %div3A = vector.broadcast %broadcast_in_dim3A_35 : vector<2048x1xf32> to vector<2048x20xf32>
    %div3A_36 = arith.divf %exp3A, %div3A : vector<2048x20xf32>
    %swap3A_37 = arith.constant 0 : index
    %swap3A_38 = arith.constant 0 : index
    %swap3A_39 = arith.constant 0 : index
    %swap3A_40 = vector.load %arg7[%swap3A_37, %swap3A_38, %swap3A_39] : memref<1x2048x20xf32, #tpu.memory_space<vmem>>, vector<1x2048x20xf32>
    %swap3A_41 = vector.shape_cast %swap3A_40 : vector<1x2048x20xf32> to vector<2048x20xf32>
    %swap3A_42 = vector.shape_cast %div3A_36 : vector<2048x20xf32> to vector<1x2048x20xf32>
    tpu.vector_store %arg7[%swap3A_37, %swap3A_38, %swap3A_39], %swap3A_42 {strides = array<i32>} : memref<1x2048x20xf32, #tpu.memory_space<vmem>>, vector<1x2048x20xf32>,
    return
  }
  func.func @transform_0(%arg0: i32) -> (i32, i32, i32) {
    %c0_i32 = arith.constant 0 : i32
    %c0_i32_0 = arith.constant 0 : i32
    %c0_i32_1 = arith.constant 0 : i32
    return %arg0, %c0_i32, %c0_i32_0 : i32, i32, i32
  }
  func.func @transform_1(%arg0: i32) -> (i32, i32) {
    %c0_i32 = arith.constant 0 : i32
    %c0_i32_0 = arith.constant 0 : i32
    %c0_i32_1 = arith.constant 0 : i32
    return %c0_i32, %c0_i32_0 : i32, i32
  }
  func.func @transform_2(%arg0: i32) -> (i32, i32) {
    %c0_i32 = arith.constant 0 : i32
    %c0_i32_0 = arith.constant 0 : i32
    %c0_i32_1 = arith.constant 0 : i32
    return %c0_i32, %c0_i32_0 : i32, i32
  }
  func.func @transform_3(%arg0: i32) -> (i32, i32) {
    %c0_i32 = arith.constant 0 : i32
    %c0_i32_0 = arith.constant 0 : i32
    %c0_i32_1 = arith.constant 0 : i32
    return %c0_i32, %c0_i32_0 : i32, i32
  }
  func.func @transform_4(%arg0: i32) -> (i32, i32) {
    %c0_i32 = arith.constant 0 : i32
    %c0_i32_0 = arith.constant 0 : i32
    %c0_i32_1 = arith.constant 0 : i32
    return %c0_i32, %c0_i32_0 : i32, i32
  }
  func.func @transform_5(%arg0: i32) -> (i32, i32, i32) {
    %c0_i32 = arith.constant 0 : i32
    %c0_i32_0 = arith.constant 0 : i32
    %c0_i32_1 = arith.constant 0 : i32
    return %arg0, %c0_i32, %c0_i32_0 : i32, i32, i32
  }
  func.func @transform_6(%arg0: i32) -> (i32, i32, i32) {
    %c0_i32 = arith.constant 0 : i32
    %c0_i32_0 = arith.constant 0 : i32
    %c0_i32_1 = arith.constant 0 : i32
    return %arg0, %c0_i32, %c0_i32_0 : i32, i32, i32
  }
}

module attributes {stable_mosaic.version = 14 : i64} {
  func.func @_select_body(%arg0: i32, %arg1: i32, %arg2: memref<1x512x8xf32, #tpu.memory_space<vmem>>, %arg3: memref<1x8x2048xf32, #tpu.memory_space<vmem>>, %arg4: memref<1x2048x20xf32, #tpu.memory_space<vmem>>, %arg5: memref<1x1x512x1xi32, #tpu.memory_space<vmem>>, %arg6: memref<1x1x512x1xi32, #tpu.memory_space<vmem>>, %arg7: memref<1x1x512x1xi32, #tpu.memory_space<vmem>>, %arg8: memref<1x1x512x1xf32, #tpu.memory_space<vmem>>, %arg9: memref<1x1x512x1xf32, #tpu.memory_space<vmem>>, %arg10: memref<1x1x512x1xf32, #tpu.memory_space<vmem>>, %arg11: memref<1x1x512x20xf32, #tpu.memory_space<vmem>>) attributes {dimension_semantics = [#tpu.dimension_semantics<arbitrary>, #tpu.dimension_semantics<arbitrary>], iteration_bounds = array<i64: 4, 8>, scalar_prefetch = 0 : i64, scratch_operands = 0 : i64, tpu.core_type = #tpu.core_type<tc>, window_params = [{transform_indices = @transform_0, window_bounds = array<i64: 1, 512, 8>}, {transform_indices = @transform_1, window_bounds = array<i64: 1, 8, 2048>}, {transform_indices = @transform_2, window_bounds = array<i64: 1, 2048, 20>}, {transform_indices = @transform_3, window_bounds = array<i64: 1, 1, 512, 1>}, {transform_indices = @transform_4, window_bounds = array<i64: 1, 1, 512, 1>}, {transform_indices = @transform_5, window_bounds = array<i64: 1, 1, 512, 1>}, {transform_indices = @transform_6, window_bounds = array<i64: 1, 1, 512, 1>}, {transform_indices = @transform_7, window_bounds = array<i64: 1, 1, 512, 1>}, {transform_indices = @transform_8, window_bounds = array<i64: 1, 1, 512, 1>}, {transform_indices = @transform_9, window_bounds = array<i64: 1, 1, 512, 20>}]} {
    %get3A = arith.constant 0 : index
    %get3A_0 = arith.constant 0 : index
    %get3A_1 = arith.constant 0 : index
    %get3A_2 = vector.load %arg2[%get3A, %get3A_0, %get3A_1] : memref<1x512x8xf32, #tpu.memory_space<vmem>>, vector<1x512x8xf32>
    %get3A_3 = vector.shape_cast %get3A_2 : vector<1x512x8xf32> to vector<512x8xf32>
    %get3A_4 = arith.constant 0 : index
    %get3A_5 = arith.constant 0 : index
    %get3A_6 = arith.constant 0 : index
    %get3A_7 = vector.load %arg3[%get3A_4, %get3A_5, %get3A_6] : memref<1x8x2048xf32, #tpu.memory_space<vmem>>, vector<1x8x2048xf32>
    %get3A_8 = vector.shape_cast %get3A_7 : vector<1x8x2048xf32> to vector<8x2048xf32>
    %mul3A = arith.mulf %get3A_3, %get3A_3 : vector<512x8xf32>
    %reduce_sum3A = arith.constant dense<0.000000e+00> : vector<512xf32>
    %reduce_sum3A_9 = vector.multi_reduction <add>, %mul3A, %reduce_sum3A [1] : vector<512x8xf32> to vector<512xf32>
    %broadcast_in_dim3A = vector.shape_cast %reduce_sum3A_9 : vector<512xf32> to vector<512x1xf32>
    %mul3A_10 = arith.mulf %get3A_8, %get3A_8 : vector<8x2048xf32>
    %reduce_sum3A_11 = arith.constant dense<0.000000e+00> : vector<2048xf32>
    %reduce_sum3A_12 = vector.multi_reduction <add>, %mul3A_10, %reduce_sum3A_11 [0] : vector<8x2048xf32> to vector<2048xf32>
    %broadcast_in_dim3A_13 = vector.shape_cast %reduce_sum3A_12 : vector<2048xf32> to vector<1x2048xf32>
    %mul3A_14 = arith.constant 2.500000e-01 : f32
    %mul3A_15 = vector.broadcast %mul3A_14 : f32 to vector<1x2048xf32>
    %mul3A_16 = arith.mulf %broadcast_in_dim3A_13, %mul3A_15 : vector<1x2048xf32>
    %convert_element_type3A = arith.truncf %get3A_3 : vector<512x8xf32> to vector<512x8xbf16>
    %convert_element_type3A_17 = arith.truncf %get3A_8 : vector<8x2048xf32> to vector<8x2048xbf16>
    %dot_general3A = arith.constant dense<0.000000e+00> : vector<512x2048xf32>
    %dot_general3A_18 = tpu.matmul %convert_element_type3A, %convert_element_type3A_17, %dot_general3A {dimension_numbers = #tpu.dot_dimension_numbers<[1], [0], [0], [1], [0, 0, 1, 1], [], []>, transpose_lhs_hint = false} : vector<512x8xbf16>, vector<8x2048xbf16>, vector<512x2048xf32> -> vector<512x2048xf32>
    %add3A = vector.broadcast %broadcast_in_dim3A : vector<512x1xf32> to vector<512x2048xf32>
    %add3A_19 = vector.broadcast %mul3A_16 : vector<1x2048xf32> to vector<512x2048xf32>
    %add3A_20 = arith.addf %add3A, %add3A_19 : vector<512x2048xf32>
    %add3A_21 = arith.addf %add3A_20, %dot_general3A_18 : vector<512x2048xf32>
    %iota3A = tpu.iota {dimensions = array<i32: 1>} : vector<512x2048xi32>
    %reduce_min3A = arith.constant dense<0x7F800000> : vector<512xf32>
    %reduce_min3A_22 = vector.multi_reduction <minimumf>, %add3A_21, %reduce_min3A [1] : vector<512x2048xf32> to vector<512xf32>
    %broadcast_in_dim3A_23 = vector.shape_cast %reduce_min3A_22 : vector<512xf32> to vector<512x1xf32>
    %gt3A = vector.broadcast %broadcast_in_dim3A_23 : vector<512x1xf32> to vector<512x2048xf32>
    %gt3A_24 = arith.cmpf ogt, %add3A_21, %gt3A : vector<512x2048xf32>
    %jit3A = arith.constant 0x7F800000 : f32
    %broadcast_in_dim3A_25 = vector.broadcast %jit3A : f32 to vector<512x2048xf32>
    %select_n3A = arith.select %gt3A_24, %add3A_21, %broadcast_in_dim3A_25 : vector<512x2048xi1>, vector<512x2048xf32>
    %reduce_min3A_26 = arith.constant dense<0x7F800000> : vector<512xf32>
    %reduce_min3A_27 = vector.multi_reduction <minimumf>, %select_n3A, %reduce_min3A_26 [1] : vector<512x2048xf32> to vector<512xf32>
    %broadcast_in_dim3A_28 = vector.shape_cast %reduce_min3A_27 : vector<512xf32> to vector<512x1xf32>
    %gt3A_29 = vector.broadcast %broadcast_in_dim3A_28 : vector<512x1xf32> to vector<512x2048xf32>
    %gt3A_30 = arith.cmpf ogt, %add3A_21, %gt3A_29 : vector<512x2048xf32>
    %jit3A_31 = arith.constant 0x7F800000 : f32
    %broadcast_in_dim3A_32 = vector.broadcast %jit3A_31 : f32 to vector<512x2048xf32>
    %select_n3A_33 = arith.select %gt3A_30, %add3A_21, %broadcast_in_dim3A_32 : vector<512x2048xi1>, vector<512x2048xf32>
    %reduce_min3A_34 = arith.constant dense<0x7F800000> : vector<512xf32>
    %reduce_min3A_35 = vector.multi_reduction <minimumf>, %select_n3A_33, %reduce_min3A_34 [1] : vector<512x2048xf32> to vector<512xf32>
    %broadcast_in_dim3A_36 = vector.shape_cast %reduce_min3A_35 : vector<512xf32> to vector<512x1xf32>
    %le3A = vector.broadcast %broadcast_in_dim3A_36 : vector<512x1xf32> to vector<512x2048xf32>
    %le3A_37 = arith.cmpf ole, %add3A_21, %le3A : vector<512x2048xf32>
    %convert_element_type3A_38 = arith.extui %le3A_37 : vector<512x2048xi1> to vector<512x2048xi32>
    %convert_element_type3A_39 = arith.sitofp %convert_element_type3A_38 : vector<512x2048xi32> to vector<512x2048xf32>
    %reduce_sum3A_40 = vector.shape_cast %convert_element_type3A_39 : vector<512x2048xf32> to vector<1x512x2048xf32>
    %reduce_sum3A_41 = arith.constant dense<0.000000e+00> : vector<1xf32>
    %reduce_sum3A_42 = vector.multi_reduction <add>, %reduce_sum3A_40, %reduce_sum3A_41 [1, 2] : vector<1x512x2048xf32> to vector<1xf32>
    %reduce_sum3A_43 = vector.shape_cast %reduce_sum3A_42 : vector<1xf32> to vector<1x1x1xf32>
    %reduce_sum3A_44 = vector.extract %reduce_sum3A_43[0, 0, 0] : f32 from vector<1x1x1xf32>
    %eq3A = arith.constant 1.536000e+03 : f32
    %eq3A_45 = arith.cmpf oeq, %reduce_sum3A_44, %eq3A : f32
    %convert_element_type3A_46 = arith.extui %eq3A_45 : i1 to i32
    %cond3A = arith.constant 1.000000e+00 : f32
    %cond3A_47 = arith.constant 0.000000e+00 : f32
    %cond3A_48 = arith.constant 0x7F800000 : f32
    %cond3A_49 = arith.constant 0 : i32
    %cond3A_50 = arith.cmpi ne, %convert_element_type3A_46, %cond3A_49 : i32
    %cond3A_51:6 = scf.if %cond3A_50 -> (vector<512x1xi32>, vector<512x1xi32>, vector<512x1xi32>, vector<512x1xf32>, vector<512x1xf32>, vector<512x20xf32>) {
      %jit3A_140 = arith.constant 2048 : i32
      %broadcast_in_dim3A_141 = vector.broadcast %jit3A_140 : i32 to vector<512x2048xi32>
      %select_n3A_142 = arith.select %gt3A_24, %broadcast_in_dim3A_141, %iota3A : vector<512x2048xi1>, vector<512x2048xi32>
      %reduce_min3A_143 = arith.constant dense<2147483647> : vector<512xi32>
      %reduce_min3A_144 = vector.multi_reduction <minsi>, %select_n3A_142, %reduce_min3A_143 [1] : vector<512x2048xi32> to vector<512xi32>
      %broadcast_in_dim3A_145 = vector.shape_cast %reduce_min3A_144 : vector<512xi32> to vector<512x1xi32>
      %not3A = arith.constant dense<true> : vector<512x2048xi1>
      %not3A_146 = arith.xori %gt3A_24, %not3A : vector<512x2048xi1>
      %or3A = arith.ori %gt3A_30, %not3A_146 : vector<512x2048xi1>
      %jit3A_147 = arith.constant 2048 : i32
      %broadcast_in_dim3A_148 = vector.broadcast %jit3A_147 : i32 to vector<512x2048xi32>
      %select_n3A_149 = arith.select %or3A, %broadcast_in_dim3A_148, %iota3A : vector<512x2048xi1>, vector<512x2048xi32>
      %reduce_min3A_150 = arith.constant dense<2147483647> : vector<512xi32>
      %reduce_min3A_151 = vector.multi_reduction <minsi>, %select_n3A_149, %reduce_min3A_150 [1] : vector<512x2048xi32> to vector<512xi32>
      %broadcast_in_dim3A_152 = vector.shape_cast %reduce_min3A_151 : vector<512xi32> to vector<512x1xi32>
      %and3A = arith.andi %le3A_37, %gt3A_30 : vector<512x2048xi1>
      %jit3A_153 = arith.constant 2048 : i32
      %broadcast_in_dim3A_154 = vector.broadcast %jit3A_153 : i32 to vector<512x2048xi32>
      %select_n3A_155 = arith.select %and3A, %iota3A, %broadcast_in_dim3A_154 : vector<512x2048xi1>, vector<512x2048xi32>
      %reduce_min3A_156 = arith.constant dense<2147483647> : vector<512xi32>
      %reduce_min3A_157 = vector.multi_reduction <minsi>, %select_n3A_155, %reduce_min3A_156 [1] : vector<512x2048xi32> to vector<512xi32>
      %broadcast_in_dim3A_158 = vector.shape_cast %reduce_min3A_157 : vector<512xi32> to vector<512x1xi32>
      %broadcast_in_dim3A_159 = vector.broadcast %cond3A : f32 to vector<512x2048xf32>
      %broadcast_in_dim3A_160 = vector.broadcast %cond3A_47 : f32 to vector<512x2048xf32>
      %select_n3A_161 = arith.select %le3A_37, %broadcast_in_dim3A_159, %broadcast_in_dim3A_160 : vector<512x2048xi1>, vector<512x2048xf32>
      %get3A_162 = arith.constant 0 : index
      %get3A_163 = arith.constant 0 : index
      %get3A_164 = arith.constant 0 : index
      %get3A_165 = vector.load %arg4[%get3A_162, %get3A_163, %get3A_164] : memref<1x2048x20xf32, #tpu.memory_space<vmem>>, vector<1x2048x20xf32>
      %get3A_166 = vector.shape_cast %get3A_165 : vector<1x2048x20xf32> to vector<2048x20xf32>
      %convert_element_type3A_167 = arith.truncf %select_n3A_161 : vector<512x2048xf32> to vector<512x2048xbf16>
      %convert_element_type3A_168 = arith.truncf %get3A_166 : vector<2048x20xf32> to vector<2048x20xbf16>
      %dot_general3A_169 = arith.constant dense<0.000000e+00> : vector<512x20xf32>
      %dot_general3A_170 = tpu.matmul %convert_element_type3A_167, %convert_element_type3A_168, %dot_general3A_169 {dimension_numbers = #tpu.dot_dimension_numbers<[1], [0], [0], [1], [0, 0, 1, 1], [], []>, transpose_lhs_hint = false} : vector<512x2048xbf16>, vector<2048x20xbf16>, vector<512x20xf32> -> vector<512x20xf32>
      scf.yield %broadcast_in_dim3A_145, %broadcast_in_dim3A_152, %broadcast_in_dim3A_158, %broadcast_in_dim3A_28, %broadcast_in_dim3A_36, %dot_general3A_170 : vector<512x1xi32>, vector<512x1xi32>, vector<512x1xi32>, vector<512x1xf32>, vector<512x1xf32>, vector<512x20xf32>
    } else {
      %eq3A_140 = vector.broadcast %broadcast_in_dim3A_23 : vector<512x1xf32> to vector<512x2048xf32>
      %eq3A_141 = arith.cmpf oeq, %add3A_21, %eq3A_140 : vector<512x2048xf32>
      %jit3A_142 = arith.constant 2048 : i32
      %broadcast_in_dim3A_143 = vector.broadcast %jit3A_142 : i32 to vector<512x2048xi32>
      %select_n3A_144 = arith.select %eq3A_141, %iota3A, %broadcast_in_dim3A_143 : vector<512x2048xi1>, vector<512x2048xi32>
      %reduce_min3A_145 = arith.constant dense<2147483647> : vector<512xi32>
      %reduce_min3A_146 = vector.multi_reduction <minsi>, %select_n3A_144, %reduce_min3A_145 [1] : vector<512x2048xi32> to vector<512xi32>
      %broadcast_in_dim3A_147 = vector.shape_cast %reduce_min3A_146 : vector<512xi32> to vector<512x1xi32>
      %eq3A_148 = vector.broadcast %broadcast_in_dim3A_147 : vector<512x1xi32> to vector<512x2048xi32>
      %eq3A_149 = arith.cmpi eq, %iota3A, %eq3A_148 : vector<512x2048xi32>
      %broadcast_in_dim3A_150 = vector.broadcast %cond3A_48 : f32 to vector<512x2048xf32>
      %select_n3A_151 = arith.select %eq3A_149, %broadcast_in_dim3A_150, %add3A_21 : vector<512x2048xi1>, vector<512x2048xf32>
      %reduce_min3A_152 = arith.constant dense<0x7F800000> : vector<512xf32>
      %reduce_min3A_153 = vector.multi_reduction <minimumf>, %select_n3A_151, %reduce_min3A_152 [1] : vector<512x2048xf32> to vector<512xf32>
      %broadcast_in_dim3A_154 = vector.shape_cast %reduce_min3A_153 : vector<512xf32> to vector<512x1xf32>
      %eq3A_155 = vector.broadcast %broadcast_in_dim3A_154 : vector<512x1xf32> to vector<512x2048xf32>
      %eq3A_156 = arith.cmpf oeq, %add3A_21, %eq3A_155 : vector<512x2048xf32>
      %not3A = arith.constant dense<true> : vector<512x2048xi1>
      %not3A_157 = arith.xori %eq3A_149, %not3A : vector<512x2048xi1>
      %and3A = arith.andi %eq3A_156, %not3A_157 : vector<512x2048xi1>
      %jit3A_158 = arith.constant 2048 : i32
      %broadcast_in_dim3A_159 = vector.broadcast %jit3A_158 : i32 to vector<512x2048xi32>
      %select_n3A_160 = arith.select %and3A, %iota3A, %broadcast_in_dim3A_159 : vector<512x2048xi1>, vector<512x2048xi32>
      %reduce_min3A_161 = arith.constant dense<2147483647> : vector<512xi32>
      %reduce_min3A_162 = vector.multi_reduction <minsi>, %select_n3A_160, %reduce_min3A_161 [1] : vector<512x2048xi32> to vector<512xi32>
      %broadcast_in_dim3A_163 = vector.shape_cast %reduce_min3A_162 : vector<512xi32> to vector<512x1xi32>
      %eq3A_164 = vector.broadcast %broadcast_in_dim3A_163 : vector<512x1xi32> to vector<512x2048xi32>
      %eq3A_165 = arith.cmpi eq, %iota3A, %eq3A_164 : vector<512x2048xi32>
      %or3A = arith.ori %eq3A_149, %eq3A_165 : vector<512x2048xi1>
      %broadcast_in_dim3A_166 = vector.broadcast %cond3A_48 : f32 to vector<512x2048xf32>
      %select_n3A_167 = arith.select %or3A, %broadcast_in_dim3A_166, %add3A_21 : vector<512x2048xi1>, vector<512x2048xf32>
      %reduce_min3A_168 = arith.constant dense<0x7F800000> : vector<512xf32>
      %reduce_min3A_169 = vector.multi_reduction <minimumf>, %select_n3A_167, %reduce_min3A_168 [1] : vector<512x2048xf32> to vector<512xf32>
      %broadcast_in_dim3A_170 = vector.shape_cast %reduce_min3A_169 : vector<512xf32> to vector<512x1xf32>
      %eq3A_171 = vector.broadcast %broadcast_in_dim3A_170 : vector<512x1xf32> to vector<512x2048xf32>
      %eq3A_172 = arith.cmpf oeq, %add3A_21, %eq3A_171 : vector<512x2048xf32>
      %not3A_173 = arith.constant dense<true> : vector<512x2048xi1>
      %not3A_174 = arith.xori %or3A, %not3A_173 : vector<512x2048xi1>
      %and3A_175 = arith.andi %eq3A_172, %not3A_174 : vector<512x2048xi1>
      %jit3A_176 = arith.constant 2048 : i32
      %broadcast_in_dim3A_177 = vector.broadcast %jit3A_176 : i32 to vector<512x2048xi32>
      %select_n3A_178 = arith.select %and3A_175, %iota3A, %broadcast_in_dim3A_177 : vector<512x2048xi1>, vector<512x2048xi32>
      %reduce_min3A_179 = arith.constant dense<2147483647> : vector<512xi32>
      %reduce_min3A_180 = vector.multi_reduction <minsi>, %select_n3A_178, %reduce_min3A_179 [1] : vector<512x2048xi32> to vector<512xi32>
      %broadcast_in_dim3A_181 = vector.shape_cast %reduce_min3A_180 : vector<512xi32> to vector<512x1xi32>
      %eq3A_182 = vector.broadcast %broadcast_in_dim3A_181 : vector<512x1xi32> to vector<512x2048xi32>
      %eq3A_183 = arith.cmpi eq, %iota3A, %eq3A_182 : vector<512x2048xi32>
      %or3A_184 = arith.ori %or3A, %eq3A_183 : vector<512x2048xi1>
      %broadcast_in_dim3A_185 = vector.broadcast %cond3A : f32 to vector<512x2048xf32>
      %broadcast_in_dim3A_186 = vector.broadcast %cond3A_47 : f32 to vector<512x2048xf32>
      %select_n3A_187 = arith.select %or3A_184, %broadcast_in_dim3A_185, %broadcast_in_dim3A_186 : vector<512x2048xi1>, vector<512x2048xf32>
      %get3A_188 = arith.constant 0 : index
      %get3A_189 = arith.constant 0 : index
      %get3A_190 = arith.constant 0 : index
      %get3A_191 = vector.load %arg4[%get3A_188, %get3A_189, %get3A_190] : memref<1x2048x20xf32, #tpu.memory_space<vmem>>, vector<1x2048x20xf32>
      %get3A_192 = vector.shape_cast %get3A_191 : vector<1x2048x20xf32> to vector<2048x20xf32>
      %convert_element_type3A_193 = arith.truncf %select_n3A_187 : vector<512x2048xf32> to vector<512x2048xbf16>
      %convert_element_type3A_194 = arith.truncf %get3A_192 : vector<2048x20xf32> to vector<2048x20xbf16>
      %dot_general3A_195 = arith.constant dense<0.000000e+00> : vector<512x20xf32>
      %dot_general3A_196 = tpu.matmul %convert_element_type3A_193, %convert_element_type3A_194, %dot_general3A_195 {dimension_numbers = #tpu.dot_dimension_numbers<[1], [0], [0], [1], [0, 0, 1, 1], [], []>, transpose_lhs_hint = false} : vector<512x2048xbf16>, vector<2048x20xbf16>, vector<512x20xf32> -> vector<512x20xf32>
      scf.yield %broadcast_in_dim3A_147, %broadcast_in_dim3A_163, %broadcast_in_dim3A_181, %broadcast_in_dim3A_154, %broadcast_in_dim3A_170, %dot_general3A_196 : vector<512x1xi32>, vector<512x1xi32>, vector<512x1xi32>, vector<512x1xf32>, vector<512x1xf32>, vector<512x20xf32>
    }
    %max3A = arith.constant 9.99999996E-13 : f32
    %max3A_52 = vector.broadcast %max3A : f32 to vector<512x1xf32>
    %max3A_53 = arith.maximumf %broadcast_in_dim3A_23, %max3A_52 : vector<512x1xf32>
    %sqrt3A = math.sqrt %max3A_53 : vector<512x1xf32>
    %max3A_54 = arith.constant 9.99999996E-13 : f32
    %max3A_55 = vector.broadcast %max3A_54 : f32 to vector<512x1xf32>
    %max3A_56 = arith.maximumf %cond3A_51#3, %max3A_55 : vector<512x1xf32>
    %sqrt3A_57 = math.sqrt %max3A_56 : vector<512x1xf32>
    %max3A_58 = arith.constant 9.99999996E-13 : f32
    %max3A_59 = vector.broadcast %max3A_58 : f32 to vector<512x1xf32>
    %max3A_60 = arith.maximumf %cond3A_51#4, %max3A_59 : vector<512x1xf32>
    %sqrt3A_61 = math.sqrt %max3A_60 : vector<512x1xf32>
    %neg3A = arith.constant 0.000000e+00 : f32
    %neg3A_62 = vector.broadcast %neg3A : f32 to vector<512x1xf32>
    %neg3A_63 = arith.subf %neg3A_62, %sqrt3A : vector<512x1xf32>
    %neg3A_64 = arith.constant 0.000000e+00 : f32
    %neg3A_65 = vector.broadcast %neg3A_64 : f32 to vector<512x1xf32>
    %neg3A_66 = arith.subf %neg3A_65, %sqrt3A_57 : vector<512x1xf32>
    %neg3A_67 = arith.constant 0.000000e+00 : f32
    %neg3A_68 = vector.broadcast %neg3A_67 : f32 to vector<512x1xf32>
    %neg3A_69 = arith.subf %neg3A_68, %sqrt3A_61 : vector<512x1xf32>
    %max3A_70 = arith.maximumf %neg3A_66, %neg3A_69 : vector<512x1xf32>
    %max3A_71 = arith.maximumf %neg3A_63, %max3A_70 : vector<512x1xf32>
    %neg3A_72 = arith.constant 0.000000e+00 : f32
    %neg3A_73 = vector.broadcast %neg3A_72 : f32 to vector<512x1xf32>
    %neg3A_74 = arith.subf %neg3A_73, %sqrt3A : vector<512x1xf32>
    %sub3A = arith.subf %neg3A_74, %max3A_71 : vector<512x1xf32>
    %exp3A = math.exp %sub3A : vector<512x1xf32>
    %neg3A_75 = arith.constant 0.000000e+00 : f32
    %neg3A_76 = vector.broadcast %neg3A_75 : f32 to vector<512x1xf32>
    %neg3A_77 = arith.subf %neg3A_76, %sqrt3A_57 : vector<512x1xf32>
    %sub3A_78 = arith.subf %neg3A_77, %max3A_71 : vector<512x1xf32>
    %exp3A_79 = math.exp %sub3A_78 : vector<512x1xf32>
    %neg3A_80 = arith.constant 0.000000e+00 : f32
    %neg3A_81 = vector.broadcast %neg3A_80 : f32 to vector<512x1xf32>
    %neg3A_82 = arith.subf %neg3A_81, %sqrt3A_61 : vector<512x1xf32>
    %sub3A_83 = arith.subf %neg3A_82, %max3A_71 : vector<512x1xf32>
    %exp3A_84 = math.exp %sub3A_83 : vector<512x1xf32>
    %add3A_85 = arith.addf %exp3A, %exp3A_79 : vector<512x1xf32>
    %add3A_86 = arith.addf %add3A_85, %exp3A_84 : vector<512x1xf32>
    %swap3A = arith.constant 0 : index
    %swap3A_87 = arith.constant 0 : index
    %swap3A_88 = arith.constant 0 : index
    %swap3A_89 = arith.constant 0 : index
    %swap3A_90 = vector.load %arg5[%swap3A, %swap3A_87, %swap3A_88, %swap3A_89] : memref<1x1x512x1xi32, #tpu.memory_space<vmem>>, vector<1x1x512x1xi32>
    %swap3A_91 = vector.shape_cast %swap3A_90 : vector<1x1x512x1xi32> to vector<512x1xi32>
    %swap3A_92 = vector.shape_cast %cond3A_51#0 : vector<512x1xi32> to vector<1x1x512x1xi32>
    tpu.vector_store %arg5[%swap3A, %swap3A_87, %swap3A_88, %swap3A_89], %swap3A_92 {strides = array<i32>} : memref<1x1x512x1xi32, #tpu.memory_space<vmem>>, vector<1x1x512x1xi32>,
    %swap3A_93 = arith.constant 0 : index
    %swap3A_94 = arith.constant 0 : index
    %swap3A_95 = arith.constant 0 : index
    %swap3A_96 = arith.constant 0 : index
    %swap3A_97 = vector.load %arg6[%swap3A_93, %swap3A_94, %swap3A_95, %swap3A_96] : memref<1x1x512x1xi32, #tpu.memory_space<vmem>>, vector<1x1x512x1xi32>
    %swap3A_98 = vector.shape_cast %swap3A_97 : vector<1x1x512x1xi32> to vector<512x1xi32>
    %swap3A_99 = vector.shape_cast %cond3A_51#1 : vector<512x1xi32> to vector<1x1x512x1xi32>
    tpu.vector_store %arg6[%swap3A_93, %swap3A_94, %swap3A_95, %swap3A_96], %swap3A_99 {strides = array<i32>} : memref<1x1x512x1xi32, #tpu.memory_space<vmem>>, vector<1x1x512x1xi32>,
    %swap3A_100 = arith.constant 0 : index
    %swap3A_101 = arith.constant 0 : index
    %swap3A_102 = arith.constant 0 : index
    %swap3A_103 = arith.constant 0 : index
    %swap3A_104 = vector.load %arg7[%swap3A_100, %swap3A_101, %swap3A_102, %swap3A_103] : memref<1x1x512x1xi32, #tpu.memory_space<vmem>>, vector<1x1x512x1xi32>
    %swap3A_105 = vector.shape_cast %swap3A_104 : vector<1x1x512x1xi32> to vector<512x1xi32>
    %swap3A_106 = vector.shape_cast %cond3A_51#2 : vector<512x1xi32> to vector<1x1x512x1xi32>
    tpu.vector_store %arg7[%swap3A_100, %swap3A_101, %swap3A_102, %swap3A_103], %swap3A_106 {strides = array<i32>} : memref<1x1x512x1xi32, #tpu.memory_space<vmem>>, vector<1x1x512x1xi32>,
    %div3A = arith.divf %exp3A, %add3A_86 : vector<512x1xf32>
    %swap3A_107 = arith.constant 0 : index
    %swap3A_108 = arith.constant 0 : index
    %swap3A_109 = arith.constant 0 : index
    %swap3A_110 = arith.constant 0 : index
    %swap3A_111 = vector.load %arg8[%swap3A_107, %swap3A_108, %swap3A_109, %swap3A_110] : memref<1x1x512x1xf32, #tpu.memory_space<vmem>>, vector<1x1x512x1xf32>
    %swap3A_112 = vector.shape_cast %swap3A_111 : vector<1x1x512x1xf32> to vector<512x1xf32>
    %swap3A_113 = vector.shape_cast %div3A : vector<512x1xf32> to vector<1x1x512x1xf32>
    tpu.vector_store %arg8[%swap3A_107, %swap3A_108, %swap3A_109, %swap3A_110], %swap3A_113 {strides = array<i32>} : memref<1x1x512x1xf32, #tpu.memory_space<vmem>>, vector<1x1x512x1xf32>,
    %div3A_114 = arith.divf %exp3A_79, %add3A_86 : vector<512x1xf32>
    %swap3A_115 = arith.constant 0 : index
    %swap3A_116 = arith.constant 0 : index
    %swap3A_117 = arith.constant 0 : index
    %swap3A_118 = arith.constant 0 : index
    %swap3A_119 = vector.load %arg9[%swap3A_115, %swap3A_116, %swap3A_117, %swap3A_118] : memref<1x1x512x1xf32, #tpu.memory_space<vmem>>, vector<1x1x512x1xf32>
    %swap3A_120 = vector.shape_cast %swap3A_119 : vector<1x1x512x1xf32> to vector<512x1xf32>
    %swap3A_121 = vector.shape_cast %div3A_114 : vector<512x1xf32> to vector<1x1x512x1xf32>
    tpu.vector_store %arg9[%swap3A_115, %swap3A_116, %swap3A_117, %swap3A_118], %swap3A_121 {strides = array<i32>} : memref<1x1x512x1xf32, #tpu.memory_space<vmem>>, vector<1x1x512x1xf32>,
    %div3A_122 = arith.divf %exp3A_84, %add3A_86 : vector<512x1xf32>
    %swap3A_123 = arith.constant 0 : index
    %swap3A_124 = arith.constant 0 : index
    %swap3A_125 = arith.constant 0 : index
    %swap3A_126 = arith.constant 0 : index
    %swap3A_127 = vector.load %arg10[%swap3A_123, %swap3A_124, %swap3A_125, %swap3A_126] : memref<1x1x512x1xf32, #tpu.memory_space<vmem>>, vector<1x1x512x1xf32>
    %swap3A_128 = vector.shape_cast %swap3A_127 : vector<1x1x512x1xf32> to vector<512x1xf32>
    %swap3A_129 = vector.shape_cast %div3A_122 : vector<512x1xf32> to vector<1x1x512x1xf32>
    tpu.vector_store %arg10[%swap3A_123, %swap3A_124, %swap3A_125, %swap3A_126], %swap3A_129 {strides = array<i32>} : memref<1x1x512x1xf32, #tpu.memory_space<vmem>>, vector<1x1x512x1xf32>,
    %mul3A_130 = arith.constant 0.333333343 : f32
    %mul3A_131 = vector.broadcast %mul3A_130 : f32 to vector<512x20xf32>
    %mul3A_132 = arith.mulf %cond3A_51#5, %mul3A_131 : vector<512x20xf32>
    %swap3A_133 = arith.constant 0 : index
    %swap3A_134 = arith.constant 0 : index
    %swap3A_135 = arith.constant 0 : index
    %swap3A_136 = arith.constant 0 : index
    %swap3A_137 = vector.load %arg11[%swap3A_133, %swap3A_134, %swap3A_135, %swap3A_136] : memref<1x1x512x20xf32, #tpu.memory_space<vmem>>, vector<1x1x512x20xf32>
    %swap3A_138 = vector.shape_cast %swap3A_137 : vector<1x1x512x20xf32> to vector<512x20xf32>
    %swap3A_139 = vector.shape_cast %mul3A_132 : vector<512x20xf32> to vector<1x1x512x20xf32>
    tpu.vector_store %arg11[%swap3A_133, %swap3A_134, %swap3A_135, %swap3A_136], %swap3A_139 {strides = array<i32>} : memref<1x1x512x20xf32, #tpu.memory_space<vmem>>, vector<1x1x512x20xf32>,
    return
  }
  func.func @transform_0(%arg0: i32, %arg1: i32) -> (i32, i32, i32) {
    %c0_i32 = arith.constant 0 : i32
    %c0_i32_0 = arith.constant 0 : i32
    return %arg0, %arg1, %c0_i32 : i32, i32, i32
  }
  func.func @transform_1(%arg0: i32, %arg1: i32) -> (i32, i32, i32) {
    %c0_i32 = arith.constant 0 : i32
    %c0_i32_0 = arith.constant 0 : i32
    %c0_i32_1 = arith.constant 0 : i32
    return %arg0, %c0_i32, %c0_i32_0 : i32, i32, i32
  }
  func.func @transform_2(%arg0: i32, %arg1: i32) -> (i32, i32, i32) {
    %c0_i32 = arith.constant 0 : i32
    %c0_i32_0 = arith.constant 0 : i32
    %c0_i32_1 = arith.constant 0 : i32
    return %arg0, %c0_i32, %c0_i32_0 : i32, i32, i32
  }
  func.func @transform_3(%arg0: i32, %arg1: i32) -> (i32, i32, i32, i32) {
    %c0_i32 = arith.constant 0 : i32
    %c0_i32_0 = arith.constant 0 : i32
    %c0_i32_1 = arith.constant 0 : i32
    return %arg0, %arg1, %c0_i32, %c0_i32_0 : i32, i32, i32, i32
  }
  func.func @transform_4(%arg0: i32, %arg1: i32) -> (i32, i32, i32, i32) {
    %c0_i32 = arith.constant 0 : i32
    %c0_i32_0 = arith.constant 0 : i32
    %c0_i32_1 = arith.constant 0 : i32
    return %arg0, %arg1, %c0_i32, %c0_i32_0 : i32, i32, i32, i32
  }
  func.func @transform_5(%arg0: i32, %arg1: i32) -> (i32, i32, i32, i32) {
    %c0_i32 = arith.constant 0 : i32
    %c0_i32_0 = arith.constant 0 : i32
    %c0_i32_1 = arith.constant 0 : i32
    return %arg0, %arg1, %c0_i32, %c0_i32_0 : i32, i32, i32, i32
  }
  func.func @transform_6(%arg0: i32, %arg1: i32) -> (i32, i32, i32, i32) {
    %c0_i32 = arith.constant 0 : i32
    %c0_i32_0 = arith.constant 0 : i32
    %c0_i32_1 = arith.constant 0 : i32
    return %arg0, %arg1, %c0_i32, %c0_i32_0 : i32, i32, i32, i32
  }
  func.func @transform_7(%arg0: i32, %arg1: i32) -> (i32, i32, i32, i32) {
    %c0_i32 = arith.constant 0 : i32
    %c0_i32_0 = arith.constant 0 : i32
    %c0_i32_1 = arith.constant 0 : i32
    return %arg0, %arg1, %c0_i32, %c0_i32_0 : i32, i32, i32, i32
  }
  func.func @transform_8(%arg0: i32, %arg1: i32) -> (i32, i32, i32, i32) {
    %c0_i32 = arith.constant 0 : i32
    %c0_i32_0 = arith.constant 0 : i32
    %c0_i32_1 = arith.constant 0 : i32
    return %arg0, %arg1, %c0_i32, %c0_i32_0 : i32, i32, i32, i32
  }
  func.func @transform_9(%arg0: i32, %arg1: i32) -> (i32, i32, i32, i32) {
    %c0_i32 = arith.constant 0 : i32
    %c0_i32_0 = arith.constant 0 : i32
    %c0_i32_1 = arith.constant 0 : i32
    return %arg0, %arg1, %c0_i32, %c0_i32_0 : i32, i32, i32, i32
  }
}

module attributes {stable_mosaic.version = 14 : i64} {
  func.func @_combine_body(%arg0: i32, %arg1: memref<512x3x128xf32, #tpu.memory_space<vmem>>, %arg2: memref<1x512x1xf32, #tpu.memory_space<vmem>>, %arg3: memref<1x512x1xf32, #tpu.memory_space<vmem>>, %arg4: memref<1x512x1xf32, #tpu.memory_space<vmem>>, %arg5: memref<1x512x20xf32, #tpu.memory_space<vmem>>, %arg6: memref<128x256xf32, #tpu.memory_space<vmem>>, %arg7: memref<20x256xf32, #tpu.memory_space<vmem>>, %arg8: memref<1x256xf32, #tpu.memory_space<vmem>>, %arg9: memref<256x128xf32, #tpu.memory_space<vmem>>, %arg10: memref<1x128xf32, #tpu.memory_space<vmem>>, %arg11: memref<512x128xf32, #tpu.memory_space<vmem>>) attributes {dimension_semantics = [#tpu.dimension_semantics<arbitrary>], iteration_bounds = array<i64: 32>, scalar_prefetch = 0 : i64, scratch_operands = 0 : i64, tpu.core_type = #tpu.core_type<tc>, window_params = [{transform_indices = @transform_0, window_bounds = array<i64: 512, 3, 128>}, {transform_indices = @transform_1, window_bounds = array<i64: 1, 512, 1>}, {transform_indices = @transform_2, window_bounds = array<i64: 1, 512, 1>}, {transform_indices = @transform_3, window_bounds = array<i64: 1, 512, 1>}, {transform_indices = @transform_4, window_bounds = array<i64: 1, 512, 20>}, {pipeline_mode = #tpu.pipeline_mode<synchronous>, transform_indices = @transform_5, window_bounds = array<i64: 128, 256>}, {pipeline_mode = #tpu.pipeline_mode<synchronous>, transform_indices = @transform_6, window_bounds = array<i64: 20, 256>}, {pipeline_mode = #tpu.pipeline_mode<synchronous>, transform_indices = @transform_7, window_bounds = array<i64: 1, 256>}, {pipeline_mode = #tpu.pipeline_mode<synchronous>, transform_indices = @transform_8, window_bounds = array<i64: 256, 128>}, {pipeline_mode = #tpu.pipeline_mode<synchronous>, transform_indices = @transform_9, window_bounds = array<i64: 1, 128>}, {transform_indices = @transform_10, window_bounds = array<i64: 512, 128>}]} {
    %get3A = arith.constant 0 : index
    %get3A_0 = arith.constant 0 : index
    %get3A_1 = arith.constant 0 : index
    %get3A_2 = vector.load %arg1[%get3A, %get3A_0, %get3A_1] : memref<512x3x128xf32, #tpu.memory_space<vmem>>, vector<512x1x128xf32>
    %get3A_3 = vector.shape_cast %get3A_2 : vector<512x1x128xf32> to vector<512x128xf32>
    %get3A_4 = arith.constant 0 : index
    %get3A_5 = arith.constant 1 : index
    %get3A_6 = arith.constant 0 : index
    %get3A_7 = vector.load %arg1[%get3A_4, %get3A_5, %get3A_6] : memref<512x3x128xf32, #tpu.memory_space<vmem>>, vector<512x1x128xf32>
    %get3A_8 = vector.shape_cast %get3A_7 : vector<512x1x128xf32> to vector<512x128xf32>
    %get3A_9 = arith.constant 0 : index
    %get3A_10 = arith.constant 2 : index
    %get3A_11 = arith.constant 0 : index
    %get3A_12 = vector.load %arg1[%get3A_9, %get3A_10, %get3A_11] : memref<512x3x128xf32, #tpu.memory_space<vmem>>, vector<512x1x128xf32>
    %get3A_13 = vector.shape_cast %get3A_12 : vector<512x1x128xf32> to vector<512x128xf32>
    %get3A_14 = arith.constant 0 : index
    %get3A_15 = arith.constant 0 : index
    %get3A_16 = arith.constant 0 : index
    %get3A_17 = vector.load %arg2[%get3A_14, %get3A_15, %get3A_16] : memref<1x512x1xf32, #tpu.memory_space<vmem>>, vector<1x512x1xf32>
    %get3A_18 = vector.shape_cast %get3A_17 : vector<1x512x1xf32> to vector<512x1xf32>
    %get3A_19 = arith.constant 0 : index
    %get3A_20 = arith.constant 0 : index
    %get3A_21 = arith.constant 0 : index
    %get3A_22 = vector.load %arg3[%get3A_19, %get3A_20, %get3A_21] : memref<1x512x1xf32, #tpu.memory_space<vmem>>, vector<1x512x1xf32>
    %get3A_23 = vector.shape_cast %get3A_22 : vector<1x512x1xf32> to vector<512x1xf32>
    %get3A_24 = arith.constant 0 : index
    %get3A_25 = arith.constant 0 : index
    %get3A_26 = arith.constant 0 : index
    %get3A_27 = vector.load %arg4[%get3A_24, %get3A_25, %get3A_26] : memref<1x512x1xf32, #tpu.memory_space<vmem>>, vector<1x512x1xf32>
    %get3A_28 = vector.shape_cast %get3A_27 : vector<1x512x1xf32> to vector<512x1xf32>
    %convert_element_type3A = arith.truncf %get3A_18 : vector<512x1xf32> to vector<512x1xbf16>
    %convert_element_type3A_29 = arith.extf %convert_element_type3A : vector<512x1xbf16> to vector<512x1xf32>
    %convert_element_type3A_30 = arith.truncf %get3A_3 : vector<512x128xf32> to vector<512x128xbf16>
    %convert_element_type3A_31 = arith.extf %convert_element_type3A_30 : vector<512x128xbf16> to vector<512x128xf32>
    %mul3A = vector.broadcast %convert_element_type3A_29 : vector<512x1xf32> to vector<512x128xf32>
    %mul3A_32 = arith.mulf %mul3A, %convert_element_type3A_31 : vector<512x128xf32>
    %convert_element_type3A_33 = arith.truncf %get3A_23 : vector<512x1xf32> to vector<512x1xbf16>
    %convert_element_type3A_34 = arith.extf %convert_element_type3A_33 : vector<512x1xbf16> to vector<512x1xf32>
    %convert_element_type3A_35 = arith.truncf %get3A_8 : vector<512x128xf32> to vector<512x128xbf16>
    %convert_element_type3A_36 = arith.extf %convert_element_type3A_35 : vector<512x128xbf16> to vector<512x128xf32>
    %mul3A_37 = vector.broadcast %convert_element_type3A_34 : vector<512x1xf32> to vector<512x128xf32>
    %mul3A_38 = arith.mulf %mul3A_37, %convert_element_type3A_36 : vector<512x128xf32>
    %add3A = arith.addf %mul3A_32, %mul3A_38 : vector<512x128xf32>
    %convert_element_type3A_39 = arith.truncf %get3A_28 : vector<512x1xf32> to vector<512x1xbf16>
    %convert_element_type3A_40 = arith.extf %convert_element_type3A_39 : vector<512x1xbf16> to vector<512x1xf32>
    %convert_element_type3A_41 = arith.truncf %get3A_13 : vector<512x128xf32> to vector<512x128xbf16>
    %convert_element_type3A_42 = arith.extf %convert_element_type3A_41 : vector<512x128xbf16> to vector<512x128xf32>
    %mul3A_43 = vector.broadcast %convert_element_type3A_40 : vector<512x1xf32> to vector<512x128xf32>
    %mul3A_44 = arith.mulf %mul3A_43, %convert_element_type3A_42 : vector<512x128xf32>
    %add3A_45 = arith.addf %add3A, %mul3A_44 : vector<512x128xf32>
    %get3A_46 = arith.constant 0 : index
    %get3A_47 = arith.constant 0 : index
    %get3A_48 = arith.constant 0 : index
    %get3A_49 = vector.load %arg5[%get3A_46, %get3A_47, %get3A_48] : memref<1x512x20xf32, #tpu.memory_space<vmem>>, vector<1x512x20xf32>
    %get3A_50 = vector.shape_cast %get3A_49 : vector<1x512x20xf32> to vector<512x20xf32>
    %get3A_51 = arith.constant 0 : index
    %get3A_52 = arith.constant 0 : index
    %get3A_53 = vector.load %arg6[%get3A_51, %get3A_52] : memref<128x256xf32, #tpu.memory_space<vmem>>, vector<128x256xf32>
    %convert_element_type3A_54 = arith.truncf %add3A_45 : vector<512x128xf32> to vector<512x128xbf16>
    %convert_element_type3A_55 = arith.truncf %get3A_53 : vector<128x256xf32> to vector<128x256xbf16>
    %dot_general3A = arith.constant dense<0.000000e+00> : vector<512x256xf32>
    %dot_general3A_56 = tpu.matmul %convert_element_type3A_54, %convert_element_type3A_55, %dot_general3A {dimension_numbers = #tpu.dot_dimension_numbers<[1], [0], [0], [1], [0, 0, 1, 1], [], []>, transpose_lhs_hint = false} : vector<512x128xbf16>, vector<128x256xbf16>, vector<512x256xf32> -> vector<512x256xf32>
    %get3A_57 = arith.constant 0 : index
    %get3A_58 = arith.constant 0 : index
    %get3A_59 = vector.load %arg7[%get3A_57, %get3A_58] : memref<20x256xf32, #tpu.memory_space<vmem>>, vector<20x256xf32>
    %convert_element_type3A_60 = arith.truncf %get3A_50 : vector<512x20xf32> to vector<512x20xbf16>
    %convert_element_type3A_61 = arith.truncf %get3A_59 : vector<20x256xf32> to vector<20x256xbf16>
    %dot_general3A_62 = arith.constant dense<0.000000e+00> : vector<512x256xf32>
    %dot_general3A_63 = tpu.matmul %convert_element_type3A_60, %convert_element_type3A_61, %dot_general3A_62 {dimension_numbers = #tpu.dot_dimension_numbers<[1], [0], [0], [1], [0, 0, 1, 1], [], []>, transpose_lhs_hint = false} : vector<512x20xbf16>, vector<20x256xbf16>, vector<512x256xf32> -> vector<512x256xf32>
    %add3A_64 = arith.addf %dot_general3A_56, %dot_general3A_63 : vector<512x256xf32>
    %get3A_65 = arith.constant 0 : index
    %get3A_66 = arith.constant 0 : index
    %get3A_67 = vector.load %arg8[%get3A_65, %get3A_66] : memref<1x256xf32, #tpu.memory_space<vmem>>, vector<1x256xf32>
    %add3A_68 = vector.broadcast %get3A_67 : vector<1x256xf32> to vector<512x256xf32>
    %add3A_69 = arith.addf %add3A_64, %add3A_68 : vector<512x256xf32>
    %max3A = arith.constant 0.000000e+00 : f32
    %max3A_70 = vector.broadcast %max3A : f32 to vector<512x256xf32>
    %max3A_71 = arith.maximumf %add3A_69, %max3A_70 : vector<512x256xf32>
    %get3A_72 = arith.constant 0 : index
    %get3A_73 = arith.constant 0 : index
    %get3A_74 = vector.load %arg9[%get3A_72, %get3A_73] : memref<256x128xf32, #tpu.memory_space<vmem>>, vector<256x128xf32>
    %convert_element_type3A_75 = arith.truncf %max3A_71 : vector<512x256xf32> to vector<512x256xbf16>
    %convert_element_type3A_76 = arith.truncf %get3A_74 : vector<256x128xf32> to vector<256x128xbf16>
    %dot_general3A_77 = arith.constant dense<0.000000e+00> : vector<512x128xf32>
    %dot_general3A_78 = tpu.matmul %convert_element_type3A_75, %convert_element_type3A_76, %dot_general3A_77 {dimension_numbers = #tpu.dot_dimension_numbers<[1], [0], [0], [1], [0, 0, 1, 1], [], []>, transpose_lhs_hint = false} : vector<512x256xbf16>, vector<256x128xbf16>, vector<512x128xf32> -> vector<512x128xf32>
    %get3A_79 = arith.constant 0 : index
    %get3A_80 = arith.constant 0 : index
    %get3A_81 = vector.load %arg10[%get3A_79, %get3A_80] : memref<1x128xf32, #tpu.memory_space<vmem>>, vector<1x128xf32>
    %add3A_82 = vector.broadcast %get3A_81 : vector<1x128xf32> to vector<512x128xf32>
    %add3A_83 = arith.addf %dot_general3A_78, %add3A_82 : vector<512x128xf32>
    %swap3A = arith.constant 0 : index
    %swap3A_84 = arith.constant 0 : index
    %swap3A_85 = vector.load %arg11[%swap3A, %swap3A_84] : memref<512x128xf32, #tpu.memory_space<vmem>>, vector<512x128xf32>
    tpu.vector_store %arg11[%swap3A, %swap3A_84], %add3A_83 {strides = array<i32>} : memref<512x128xf32, #tpu.memory_space<vmem>>, vector<512x128xf32>,
    return
  }
  func.func @transform_0(%arg0: i32) -> (i32, i32, i32) {
    %c0_i32 = arith.constant 0 : i32
    %c0_i32_0 = arith.constant 0 : i32
    %c0_i32_1 = arith.constant 0 : i32
    return %arg0, %c0_i32, %c0_i32_0 : i32, i32, i32
  }
  func.func @transform_1(%arg0: i32) -> (i32, i32, i32) {
    %c0_i32 = arith.constant 0 : i32
    %c0_i32_0 = arith.constant 0 : i32
    %c0_i32_1 = arith.constant 0 : i32
    return %arg0, %c0_i32, %c0_i32_0 : i32, i32, i32
  }
  func.func @transform_2(%arg0: i32) -> (i32, i32, i32) {
    %c0_i32 = arith.constant 0 : i32
    %c0_i32_0 = arith.constant 0 : i32
    %c0_i32_1 = arith.constant 0 : i32
    return %arg0, %c0_i32, %c0_i32_0 : i32, i32, i32
  }
  func.func @transform_3(%arg0: i32) -> (i32, i32, i32) {
    %c0_i32 = arith.constant 0 : i32
    %c0_i32_0 = arith.constant 0 : i32
    %c0_i32_1 = arith.constant 0 : i32
    return %arg0, %c0_i32, %c0_i32_0 : i32, i32, i32
  }
  func.func @transform_4(%arg0: i32) -> (i32, i32, i32) {
    %c0_i32 = arith.constant 0 : i32
    %c0_i32_0 = arith.constant 0 : i32
    %c0_i32_1 = arith.constant 0 : i32
    return %arg0, %c0_i32, %c0_i32_0 : i32, i32, i32
  }
  func.func @transform_5(%arg0: i32) -> (i32, i32) {
    %c0_i32 = arith.constant 0 : i32
    %c0_i32_0 = arith.constant 0 : i32
    %c0_i32_1 = arith.constant 0 : i32
    return %c0_i32, %c0_i32_0 : i32, i32
  }
  func.func @transform_6(%arg0: i32) -> (i32, i32) {
    %c0_i32 = arith.constant 0 : i32
    %c0_i32_0 = arith.constant 0 : i32
    %c0_i32_1 = arith.constant 0 : i32
    return %c0_i32, %c0_i32_0 : i32, i32
  }
  func.func @transform_7(%arg0: i32) -> (i32, i32) {
    %c0_i32 = arith.constant 0 : i32
    %c0_i32_0 = arith.constant 0 : i32
    %c0_i32_1 = arith.constant 0 : i32
    return %c0_i32, %c0_i32_0 : i32, i32
  }
  func.func @transform_8(%arg0: i32) -> (i32, i32) {
    %c0_i32 = arith.constant 0 : i32
    %c0_i32_0 = arith.constant 0 : i32
    %c0_i32_1 = arith.constant 0 : i32
    return %c0_i32, %c0_i32_0 : i32, i32
  }
  func.func @transform_9(%arg0: i32) -> (i32, i32) {
    %c0_i32 = arith.constant 0 : i32
    %c0_i32_0 = arith.constant 0 : i32
    %c0_i32_1 = arith.constant 0 : i32
    return %c0_i32, %c0_i32_0 : i32, i32
  }
  func.func @transform_10(%arg0: i32) -> (i32, i32) {
    %c0_i32 = arith.constant 0 : i32
    %c0_i32_0 = arith.constant 0 : i32
    return %arg0, %c0_i32 : i32, i32
  }
}

</mosaic_0001>

<sc_bundles>
// kernel: kernel.6.cloned.1.call-start
scs
__scs_entry_jumppad:
0x0: {  	(pc) =	sbr.rel $0x88, $3  }
0x1: {  	(tag) =	ssettag $0x0;
	lr =	simm.s32 $0x1  }
0x2: {  	[smem:$0x3F96] =	sst lr;
	_ =	strace $0xD0000000  }
0x3: {  	_ = 	snop  }
0x4: {  	_ = 	snop  }
0x5: {  	_ = 	snop  }
0x6: {  	_ = 	snop  }
0x7: {  	_ = 	snop  }
__scs_overlays_trampoline_lowered:
0x8: {  	[smem:$0x3FA5] =	sst s0  }
0x9: {  	[smem:$0x3FA6] =	sst s1  }
0xa: {  	[smem:$0x3FA7] =	sst s2  }
0xb: {  	[smem:$0x3FA8] =	sst s3  }
0xc: {  	[smem:$0x3FA9] =	sst s4  }
0xd: {  	[smem:$0x3FAA] =	sst s5  }
0xe: {  	[smem:$0x3FAB] =	sst s6  }
0xf: {  	[smem:$0x3FAC] =	sst s7  }
0x10: {  	[smem:$0x3FAD] =	sst s8  }
0x11: {  	[smem:$0x3FAE] =	sst s9;
	s0 =	simm.s32 @!p0 $0x0  }
0x12: {  	s1 =	sld [smem:$0x3F94];
	s0 =	simm.s32 @p0 $0x1  }
0x13: {  	[smem:$0x3FAF] =	sst s0;
	s0 =	simm.s32 @!p1 $0x0  }
0x14: {  	s2 =	sld [smem:$0x3F93];
	s0 =	simm.s32 @p1 $0x1  }
0x15: {  	[smem:$0x3FB0] =	sst s0;
	s0 =	simm.s32 @!p2 $0x0  }
0x16: {  	s3 =	sld [smem:$0x3FDB];
	s0 =	simm.s32 @p2 $0x1  }
0x17: {  	s4 =	simm.s32 $0x1BF5;
	[smem:$0x3FB2] =	sst s0  }
0x18: {  	s0 =	sld [smem:$0x3F95];
	_ =	swait.ge [sflag:s4], $0x0  }
0x19: {  	s7 =	sld [smem:$0x3F96]  }
0x1a: {  	s8 =	sadd.s32 $0xFFFFE003, lr  }
0x1b: {  	s9 =	sadd.s32 $0xFFFFFEF7, lr;
	s5 =	simm.s32 $0xFFFFFFFF;
	p2 =	slt.u32 s8, $0xFFFFF086  }
0x1c: {  	p1 =	slt.u32 s9, $0xF7A;
	s5 =	simm.s32 @!p2 $0x0  }
0x1d: {  	s5 =	simm.s32 @p1 $0x1;
	p0 =	seq.s32 s7, s2  }
0x1e: {  	s7 =	smul.u32 @!p0 $0xF7A, s2;
	p2 =	seq.s32 @!p0 s5, $0x0  }
0x1f: {  	s9 =	smul.u32 $0xF7A, s1;
	s8 =	simm.s32 @!p0 $0x1BF5;
	p2 =	por !p2, p0  }
0x20: {  	[sflag:s8] =	ssyncset.s32 @!p0 $0xFFFFF086;
	s6 =	sadd.s32 @!p0 s3, s7;
	s7 =	simm.s32 @!p0 $0x108  }
0x21: {  	s3 =	sadd.s32 s3, s9;
	s6 =	sadd.s32 @!p0 $0x88, s6;
	s7 =	simm.s32 @p2 $0x1082  }
0x22: {  	[simem:s7], [sflag:s8] =	dma.local @!p0 [hbm:s6], $0xF7A  }
0x23: {  	s9 =	sor.u32 $0xD0000000, s2;
	s6 =	simm.s32 $0x108;
	_ =	swait.ge @!p0 [sflag:s8], $0x0  }
0x24: {  	s3 =	sadd.s32 $0x88, s3;
	s6 =	simm.s32 @!p1 $0x1082;
	[sflag:s4] =	ssyncset.s32 $0xFFFFF086  }
0x25: {  	[simem:s6], [sflag:s4] =	dma.local [hbm:s3], $0xF7A  }
0x26: {  	[smem:$0x3F96] =	sst s1;
	(tag) =	ssettag s2;
	_ =	strace s9  }
0x27: {  	s1 =	sld [smem:$0x3FA6]  }
0x28: {  	s2 =	sld [smem:$0x3FA7]  }
0x29: {  	s4 =	sld [smem:$0x3FA9]  }
0x2a: {  	p0 =	seq.s32 s5, $0x0;
	s5 =	sld [smem:$0x3FAA]  }
0x2b: {  	s6 =	sld [smem:$0x3FAB]  }
0x2c: {  	s7 =	sld [smem:$0x3FAC]  }
0x2d: {  	s3 =	simm.s32 $0x108;
	s8 =	sld [smem:$0x3FAD]  }
0x2e: {  	s3 =	simm.s32 @!p0 $0x1082;
	s9 =	sld [smem:$0x3FAE]  }
0x2f: {  	lr =	sadd.s32 s0, s3;
	s0 =	sld [smem:$0x3FA5]  }
0x30: {  	s3 =	sld [smem:$0x3FA8]  }
0x31: {  	[smem:$0x3FB1] =	sst s10  }
0x32: {  	s10 =	sld [smem:$0x3FAF];
	_ =	sdelay $0x3  }
0x33: {  	p0 =	seq.s32 s10, $0x1;
	s10 =	sld [smem:$0x3FB1];
	_ =	sdelay $0x3  }
0x34: {  	[smem:$0x3FB1] =	sst s10  }
0x35: {  	s10 =	sld [smem:$0x3FB0];
	_ =	sdelay $0x3  }
0x36: {  	p1 =	seq.s32 s10, $0x1;
	s10 =	sld [smem:$0x3FB1];
	_ =	sdelay $0x3  }
0x37: {  	[smem:$0x3FB1] =	sst s10  }
0x38: {  	s10 =	sld [smem:$0x3FB2]  }
0x39: {  	_ = 	snop;
	(pc) =	sbr.ind lr, $3  }
0x3a: {  	_ = 	snop  }
0x3b: {  	_ = 	snop  }
0x3c: {  	p2 =	seq.s32 s10, $0x1;
	s10 =	sld [smem:$0x3FB1]  }
0x3d: {  	_ =	shalt  }
0x3e: {  	_ =	shalt  }
0x3f: {  	_ =	shalt  }
0x40: {  	_ =	shalt  }
0x41: {  	_ =	shalt  }
0x42: {  	_ =	shalt  }
0x43: {  	_ =	shalt  }
0x44: {  	_ =	shalt  }
0x45: {  	_ =	shalt  }
0x46: {  	_ =	shalt  }
0x47: {  	_ =	shalt  }
0x48: {  	_ =	shalt  }
0x49: {  	_ =	shalt  }
0x4a: {  	_ =	shalt  }
0x4b: {  	_ =	shalt  }
0x4c: {  	_ =	shalt  }
0x4d: {  	_ =	shalt  }
0x4e: {  	_ =	shalt  }
0x4f: {  	_ =	shalt  }
0x50: {  	_ =	shalt  }
0x51: {  	_ =	shalt  }
0x52: {  	_ =	shalt  }
0x53: {  	_ =	shalt  }
0x54: {  	_ =	shalt  }
0x55: {  	_ =	shalt  }
0x56: {  	_ =	shalt  }
0x57: {  	_ =	shalt  }
0x58: {  	_ =	shalt  }
0x59: {  	_ =	shalt  }
0x5a: {  	_ =	shalt  }
0x5b: {  	_ =	shalt  }
0x5c: {  	_ =	shalt  }
0x5d: {  	_ =	shalt  }
0x5e: {  	_ =	shalt  }
0x5f: {  	_ =	shalt  }
0x60: {  	_ =	shalt  }
0x61: {  	_ =	shalt  }
0x62: {  	_ =	shalt  }
0x63: {  	_ =	shalt  }
0x64: {  	_ =	shalt  }
0x65: {  	_ =	shalt  }
0x66: {  	_ =	shalt  }
0x67: {  	_ =	shalt  }
0x68: {  	_ =	shalt  }
0x69: {  	_ =	shalt  }
0x6a: {  	_ =	shalt  }
0x6b: {  	_ =	shalt  }
0x6c: {  	_ =	shalt  }
0x6d: {  	_ =	shalt  }
0x6e: {  	_ =	shalt  }
0x6f: {  	_ =	shalt  }
0x70: {  	_ =	shalt  }
0x71: {  	_ =	shalt  }
0x72: {  	_ =	shalt  }
0x73: {  	_ =	shalt  }
0x74: {  	_ =	shalt  }
0x75: {  	_ =	shalt  }
0x76: {  	_ =	shalt  }
0x77: {  	_ =	shalt  }
0x78: {  	_ =	shalt  }
0x79: {  	_ =	shalt  }
0x7a: {  	_ =	shalt  }
0x7b: {  	_ =	shalt  }
0x7c: {  	_ =	shalt  }
0x7d: {  	_ =	shalt  }
0x7e: {  	_ =	shalt  }
0x7f: {  	_ =	shalt  }
0x80: {  	_ =	shalt  }
0x81: {  	_ =	shalt  }
0x82: {  	_ =	shalt  }
0x83: {  	_ =	shalt  }
0x84: {  	_ =	shalt  }
0x85: {  	_ =	shalt  }
0x86: {  	_ =	shalt  }
0x87: {  	_ =	shalt  }
.Lfunc_end0:
.L_simem_size_0:
called_computation_lowered:
.L_overlay_start_0:
0x88: {  	s2 =	sld [smem:$0x3FD9]  }
0x89: {  	s3 =	sld [smem:$0x3FFE];
	_ =	sdelay $0x1  }
0x8a: {  	s1 =	srdreg.scid  }
0x8b: {  	s0 =	sand.u32 $0x1, s1  }
0x8c: {  	s14 =	sshll.u32 s0, $0xA;
	s2 =	sadd.s32 s3, s2  }
0x8d: {  	s2 =	sadd.s32 s2, s14  }
0x8e: {  	[smem:$0x3FBD] =	sst s2  }
0x8f: {  	_ = 	snop  }
0x90: {  	s2 =	sld [smem:$0x3FD0];
	_ =	sdelay $0x2  }
0x91: {  	s4 =	simm.s32 $0xA;
	s5 =	simm.s32 $0x10;
	s15 =	sld [smem:$0x3FC7]  }
0x92: {  	[smem:s5], [sflag:s4] =	dma.local [hbm:s2], $0x1  }
0x93: {  	_ =	swait.eq [sflag:s4], $0x1  }
0x94: {  	[sflag:s4] =	ssyncset.done $0x0  }
0x95: {  	[sflag:s4] =	ssyncadd.s32 $0xFFFFFFFF  }
0x96: {  	s16 =	sld [smem:$0x10];
	(tm) =	ssettm $0x1  }
0x97: {  	s17 =	sld [smem:$0x3FFB];
	_ =	sdelay $0x3  }
0x98: {  	_ =	strace s17  }
0x99: {  	s4 =	sld [smem:$0x3FFC];
	_ =	sdelay $0x3  }
0x9a: {  	_ =	strace s4  }
0x9b: {  	s4 =	sld [smem:$0x3FFD];
	_ =	sdelay $0x3  }
0x9c: {  	_ =	strace s4  }
0x9d: {  	_ =	strace $0x8FFFFFFF  }
0x9e: {  	s18 =	sld [smem:$0x3FDB];
	_ =	sdelay $0x1  }
0x9f: {  	s19 =	simm.s32 $_scs_section_size  }
0xa0: {  	s6 =	simm.s32 $_size__tile_overlayer_lowered;
	s7 =	simm.s32 $_tile_overlayer_lowered  }
0xa1: {  	s22 =	simm.s32 $0x1BFF;
	s21 =	sshll.u32 s7, $0x1;
	s4 =	sadd.s32 s19, s18  }
0xa2: {  	s8 =	simm.s32 $0x0;
	s20 =	sshll.u32 s6, $0x1;
	s6 =	sadd.s32 s21, s4  }
0xa3: {  	[timem:s8], [sflag:s22] =	dma.local [hbm:s6], s20  }
0xa4: {  	_ =	swait.ge [sflag:s22], s20  }
0xa5: {  	s5 =	ssub.s32 $0x0, s20;
	[sflag:s22] =	ssyncset.done $0x0  }
0xa6: {  	[sflag:s22] =	ssyncadd.s32 s5;
	_ =	sdelay $0x1  }
0xa7: {  	s23 =	simm.s32 $0x1B8B  }
0xa8: {  	_ =	swait.ge [sflag:s23], $0x1  }
0xa9: {  	[sflag:s23] =	ssyncset.done $0x0  }
0xaa: {  	s25 =	simm.s32 $0x1B8E;
	s24 =	sld [smem:$0x3FFE];
	[sflag:s23] =	ssyncadd.s32 $0xFFFFFFFF  }
0xab: {  	s26 =	simm.s32 $execute0_lowered;
	[smem:$0x3FD2] =	sst s25  }
0xac: {  	s6 =	sshll.u32 s26, $0x1;
	_ =	strace $0x80000046;
	[dreg:$0x1] =	wrdreg $0xFFFFFFFF  }
0xad: {  	s28 =	simm.s32 $_size_execute0_lowered;
	s4 =	sadd.s32 s4, s6;
	[dreg:$0x0] =	wrdreg $0x0  }
0xae: {  	s6 =	sshll.u32 s28, $0x1;
	[dreg:$0x2] =	wrdreg s4  }
0xaf: {  	[dreg:$0x3] =	wrdreg s6  }
0xb0: {  	[dreg:$0x4] =	wrdreg $0xC0  }
0xb1: {  	_ =	task [dreg:s8], $0x5FFFF  }
0xb2: {  	[dreg:$0x1] =	wrdreg $0xFFFFFFFF  }
0xb3: {  	[dreg:$0x0] =	wrdreg $0x60  }
0xb4: {  	[dreg:$0x2] =	wrdreg s15  }
0xb5: {  	[dreg:$0x3] =	wrdreg s16  }
0xb6: {  	[dreg:$0x4] =	wrdreg s24  }
0xb7: {  	[dreg:$0x5] =	wrdreg $0x9  }
0xb8: {  	_ =	task.clear_ibuf [dreg:s8], $0x6FFFF;
	_ =	strace $0x90000046  }
0xb9: {  	s29 =	simm.s32 $0x9;
	_ =	strace $0x80000048  }
0xba: {  	_ =	swait.ge [sflag:s29], $0x1  }
0xbb: {  	[sflag:s29] =	ssyncadd.s32 $0xFFFFFFFF  }
0xbc: {  	_ =	strace $0x90000048  }
0xbd: {  	_ =	sfence  }
0xbe: {  	s30 =	sld [smem:$0x0];
	_ =	sdelay $0x2  }
0xbf: {  	s31 =	sshll.u32 s1, $0xD;
	s1 =	sshrl.u32 s1, $0x2  }
0xc0: {  	s3 =	sand.u32 $0x4000, s31;
	s1 =	sadd.s32 s1, s30  }
0xc1: {  	s0 =	sor.u32 s3, s0;
	s1 =	sshll.u32 s1, $0x11  }
0xc2: {  	s0 =	sor.u32 s1, s0  }
0xc3: {  	s0 =	sadd.s32 $0x8F2B, s0  }
0xc4: {  	[sflag:s0] =	ssyncadd.remote.s32 $0x1  }
0xc5: {  	_ =	sfence.sel $0xFFFF  }
0xc6: {  	[dreg:$0x0] =	wrdreg $0xFFFFFFFF;
	(pc) =	sbr.abs _section_cstart, $3  }
0xc7: {  	[dreg:$0x1] =	wrdreg $0xFFFFFFFF  }
0xc8: {  	_ =	task.clear_ibuf [dreg:s8], $0x2FFFF;
	_ =	strace $0x9FFFFFFF  }
0xc9: {  	(tm) =	ssettm $0x7FFFFFFF  }
tec
execute0_lowered:
.L_overlay_start_1:
0x0: {  	(tag) =	ssettag $0x1  }
0x1: {  	s1 =	srdreg.scid;
	s0 =	stileid.u32  }
0x2: {  	s30 =	sand.u32 $0x1, s1;
	s25 =	sshll.u32 s0, $0x1  }
0x3: {  	s1 =	sor.u32 s30, s25  }
0x4: {  	s2 =	rddreg [dreg:$0x0];
	s31 =	smul.u32 $0x600, s1  }
0x5: {  	s29 =	rddreg [dreg:$0x1]  }
0x6: {  	s7 =	rddreg [dreg:$0x2];
	s3 =	simm.s32 $0x0;
	s4 =	sshrl.u32 s31, $0x3  }
0x7: {  	[smem:$0x7FF] =	sst s3;
	s4 =	sadd.s32 s29, s4  }
0x8: {  	_ =	strace $0x80000047;
	[dreg:$0x4] =	wrdreg s4  }
0x9: {  	s4 =	simm.s32 $0x2;
	s5 =	rddreg [dreg:$0x4]  }
0xa: {  	[tilespmem:s3], [sflag:$0x2] =	stream.linear.gather [hbm4b:s5+s3], $0x80, $0x38;
	[tilespmem:$0x4080] =	vst v63  }
0xb: {  	_ =	swait.ge [sflag:s4], $0x80  }
0xc: {  	[sflag:s4] =	ssyncset.done $0x0  }
0xd: {  	s6 =	simm.s32 $0x1;
	s5 =	simm.s32 $0x80;
	[sflag:s4] =	ssyncadd.s32 $0xFFFFFF80  }
0xe: {  	[tilespmem:s5], [sflag:$0x1] =	stream.indirect.gather [hbm4b:s2+s5], $0x80, s3, s5, $0xb8;
	[tilespmem:$0x4080] =	vst v63  }
0xf: {  	s8 =	smul.u32 $0x6000, s1;
	_ =	swait.ge [sflag:s6], $0x4000  }
0x10: {  	s1 =	sadd.s32 $0x142A00, s7;
	[sflag:s6] =	ssyncset.done $0x0  }
0x11: {  	s7 =	sadd.s32 s1, s8;
	[sflag:s6] =	ssyncadd.s32 $0xFFFFC000  }
0x12: {  	[hbm4b:s7+s3] =	stream.linear.scatter [tilespmem:s5], [sflag:$0x2], $0x4000, $0x38;
	[tilespmem:$0x4080] =	vst v63  }
0x13: {  	s9 =	sor.u32 $0x80, s31;
	_ =	swait.ge [sflag:s4], $0x4000  }
0x14: {  	s26 =	sshrl.u32 s9, $0x3;
	[sflag:s4] =	ssyncset.done $0x0  }
0x15: {  	s8 =	sadd.s32 s29, s26;
	[sflag:s4] =	ssyncadd.s32 $0xFFFFC000  }
0x16: {  	[tilespmem:s3], [sflag:$0x2] =	stream.linear.gather [hbm4b:s8+s3], $0x80, $0x38;
	[tilespmem:$0x4080] =	vst v63  }
0x17: {  	_ =	swait.ge [sflag:s4], $0x80  }
0x18: {  	[sflag:s4] =	ssyncset.done $0x0  }
0x19: {  	[sflag:s4] =	ssyncadd.s32 $0xFFFFFF80  }
0x1a: {  	[tilespmem:s5], [sflag:$0x1] =	stream.indirect.gather [hbm4b:s2+s5], $0x80, s3, s5, $0xb8;
	[tilespmem:$0x4080] =	vst v63  }
0x1b: {  	_ =	swait.ge [sflag:s6], $0x4000  }
0x1c: {  	s9 =	sshll.u32 s9, $0x4;
	[sflag:s6] =	ssyncset.done $0x0  }
0x1d: {  	s9 =	sadd.s32 s1, s9;
	[sflag:s6] =	ssyncadd.s32 $0xFFFFC000  }
0x1e: {  	[hbm4b:s9+s3] =	stream.linear.scatter [tilespmem:s5], [sflag:$0x2], $0x4000, $0x38;
	[tilespmem:$0x4080] =	vst v63  }
0x1f: {  	s11 =	sor.u32 $0x100, s31;
	_ =	swait.ge [sflag:s4], $0x4000  }
0x20: {  	s10 =	sshrl.u32 s11, $0x3;
	[sflag:s4] =	ssyncset.done $0x0  }
0x21: {  	s10 =	sadd.s32 s29, s10;
	[sflag:s4] =	ssyncadd.s32 $0xFFFFC000  }
0x22: {  	[tilespmem:s3], [sflag:$0x2] =	stream.linear.gather [hbm4b:s10+s3], $0x80, $0x38;
	[tilespmem:$0x4080] =	vst v63  }
0x23: {  	_ =	swait.ge [sflag:s4], $0x80  }
0x24: {  	[sflag:s4] =	ssyncset.done $0x0  }
0x25: {  	[sflag:s4] =	ssyncadd.s32 $0xFFFFFF80  }
0x26: {  	[tilespmem:s5], [sflag:$0x1] =	stream.indirect.gather [hbm4b:s2+s5], $0x80, s3, s5, $0xb8;
	[tilespmem:$0x4080] =	vst v63  }
0x27: {  	_ =	swait.ge [sflag:s6], $0x4000  }
0x28: {  	s11 =	sshll.u32 s11, $0x4;
	[sflag:s6] =	ssyncset.done $0x0  }
0x29: {  	s11 =	sadd.s32 s1, s11;
	[sflag:s6] =	ssyncadd.s32 $0xFFFFC000  }
0x2a: {  	[hbm4b:s11+s3] =	stream.linear.scatter [tilespmem:s5], [sflag:$0x2], $0x4000, $0x38;
	[tilespmem:$0x4080] =	vst v63  }
0x2b: {  	s13 =	sor.u32 $0x180, s31;
	_ =	swait.ge [sflag:s4], $0x4000  }
0x2c: {  	s12 =	sshrl.u32 s13, $0x3;
	[sflag:s4] =	ssyncset.done $0x0  }
0x2d: {  	s12 =	sadd.s32 s29, s12;
	[sflag:s4] =	ssyncadd.s32 $0xFFFFC000  }
0x2e: {  	[tilespmem:s3], [sflag:$0x2] =	stream.linear.gather [hbm4b:s12+s3], $0x80, $0x38;
	[tilespmem:$0x4080] =	vst v63  }
0x2f: {  	_ =	swait.ge [sflag:s4], $0x80  }
0x30: {  	[sflag:s4] =	ssyncset.done $0x0  }
0x31: {  	[sflag:s4] =	ssyncadd.s32 $0xFFFFFF80  }
0x32: {  	[tilespmem:s5], [sflag:$0x1] =	stream.indirect.gather [hbm4b:s2+s5], $0x80, s3, s5, $0xb8;
	[tilespmem:$0x4080] =	vst v63  }
0x33: {  	_ =	swait.ge [sflag:s6], $0x4000  }
0x34: {  	s13 =	sshll.u32 s13, $0x4;
	[sflag:s6] =	ssyncset.done $0x0  }
0x35: {  	s13 =	sadd.s32 s1, s13;
	[sflag:s6] =	ssyncadd.s32 $0xFFFFC000  }
0x36: {  	[hbm4b:s13+s3] =	stream.linear.scatter [tilespmem:s5], [sflag:$0x2], $0x4000, $0x38;
	[tilespmem:$0x4080] =	vst v63  }
0x37: {  	s15 =	sadd.s32 $0x200, s31;
	_ =	swait.ge [sflag:s4], $0x4000  }
0x38: {  	s14 =	sshrl.u32 s15, $0x3;
	[sflag:s4] =	ssyncset.done $0x0  }
0x39: {  	s14 =	sadd.s32 s29, s14;
	[sflag:s4] =	ssyncadd.s32 $0xFFFFC000  }
0x3a: {  	[tilespmem:s3], [sflag:$0x2] =	stream.linear.gather [hbm4b:s14+s3], $0x80, $0x38;
	[tilespmem:$0x4080] =	vst v63  }
0x3b: {  	_ =	swait.ge [sflag:s4], $0x80  }
0x3c: {  	[sflag:s4] =	ssyncset.done $0x0  }
0x3d: {  	[sflag:s4] =	ssyncadd.s32 $0xFFFFFF80  }
0x3e: {  	[tilespmem:s5], [sflag:$0x1] =	stream.indirect.gather [hbm4b:s2+s5], $0x80, s3, s5, $0xb8;
	[tilespmem:$0x4080] =	vst v63  }
0x3f: {  	_ =	swait.ge [sflag:s6], $0x4000  }
0x40: {  	s15 =	sshll.u32 s15, $0x4;
	[sflag:s6] =	ssyncset.done $0x0  }
0x41: {  	s15 =	sadd.s32 s1, s15;
	[sflag:s6] =	ssyncadd.s32 $0xFFFFC000  }
0x42: {  	[hbm4b:s15+s3] =	stream.linear.scatter [tilespmem:s5], [sflag:$0x2], $0x4000, $0x38;
	[tilespmem:$0x4080] =	vst v63  }
0x43: {  	s17 =	sadd.s32 $0x280, s31;
	_ =	swait.ge [sflag:s4], $0x4000  }
0x44: {  	s16 =	sshrl.u32 s17, $0x3;
	[sflag:s4] =	ssyncset.done $0x0  }
0x45: {  	s16 =	sadd.s32 s29, s16;
	[sflag:s4] =	ssyncadd.s32 $0xFFFFC000  }
0x46: {  	[tilespmem:s3], [sflag:$0x2] =	stream.linear.gather [hbm4b:s16+s3], $0x80, $0x38;
	[tilespmem:$0x4080] =	vst v63  }
0x47: {  	_ =	swait.ge [sflag:s4], $0x80  }
0x48: {  	[sflag:s4] =	ssyncset.done $0x0  }
0x49: {  	[sflag:s4] =	ssyncadd.s32 $0xFFFFFF80  }
0x4a: {  	[tilespmem:s5], [sflag:$0x1] =	stream.indirect.gather [hbm4b:s2+s5], $0x80, s3, s5, $0xb8;
	[tilespmem:$0x4080] =	vst v63  }
0x4b: {  	_ =	swait.ge [sflag:s6], $0x4000  }
0x4c: {  	s17 =	sshll.u32 s17, $0x4;
	[sflag:s6] =	ssyncset.done $0x0  }
0x4d: {  	s17 =	sadd.s32 s1, s17;
	[sflag:s6] =	ssyncadd.s32 $0xFFFFC000  }
0x4e: {  	[hbm4b:s17+s3] =	stream.linear.scatter [tilespmem:s5], [sflag:$0x2], $0x4000, $0x38;
	[tilespmem:$0x4080] =	vst v63  }
0x4f: {  	s19 =	sadd.s32 $0x300, s31;
	_ =	swait.ge [sflag:s4], $0x4000  }
0x50: {  	s18 =	sshrl.u32 s19, $0x3;
	[sflag:s4] =	ssyncset.done $0x0  }
0x51: {  	s18 =	sadd.s32 s29, s18;
	[sflag:s4] =	ssyncadd.s32 $0xFFFFC000  }
0x52: {  	[tilespmem:s3], [sflag:$0x2] =	stream.linear.gather [hbm4b:s18+s3], $0x80, $0x38;
	[tilespmem:$0x4080] =	vst v63  }
0x53: {  	_ =	swait.ge [sflag:s4], $0x80  }
0x54: {  	[sflag:s4] =	ssyncset.done $0x0  }
0x55: {  	[sflag:s4] =	ssyncadd.s32 $0xFFFFFF80  }
0x56: {  	[tilespmem:s5], [sflag:$0x1] =	stream.indirect.gather [hbm4b:s2+s5], $0x80, s3, s5, $0xb8;
	[tilespmem:$0x4080] =	vst v63  }
0x57: {  	_ =	swait.ge [sflag:s6], $0x4000  }
0x58: {  	s19 =	sshll.u32 s19, $0x4;
	[sflag:s6] =	ssyncset.done $0x0  }
0x59: {  	s19 =	sadd.s32 s1, s19;
	[sflag:s6] =	ssyncadd.s32 $0xFFFFC000  }
0x5a: {  	[hbm4b:s19+s3] =	stream.linear.scatter [tilespmem:s5], [sflag:$0x2], $0x4000, $0x38;
	[tilespmem:$0x4080] =	vst v63  }
0x5b: {  	s21 =	sadd.s32 $0x380, s31;
	_ =	swait.ge [sflag:s4], $0x4000  }
0x5c: {  	s20 =	sshrl.u32 s21, $0x3;
	[sflag:s4] =	ssyncset.done $0x0  }
0x5d: {  	s20 =	sadd.s32 s29, s20;
	[sflag:s4] =	ssyncadd.s32 $0xFFFFC000  }
0x5e: {  	[tilespmem:s3], [sflag:$0x2] =	stream.linear.gather [hbm4b:s20+s3], $0x80, $0x38;
	[tilespmem:$0x4080] =	vst v63  }
0x5f: {  	_ =	swait.ge [sflag:s4], $0x80  }
0x60: {  	[sflag:s4] =	ssyncset.done $0x0  }
0x61: {  	[sflag:s4] =	ssyncadd.s32 $0xFFFFFF80  }
0x62: {  	[tilespmem:s5], [sflag:$0x1] =	stream.indirect.gather [hbm4b:s2+s5], $0x80, s3, s5, $0xb8;
	[tilespmem:$0x4080] =	vst v63  }
0x63: {  	_ =	swait.ge [sflag:s6], $0x4000  }
0x64: {  	s21 =	sshll.u32 s21, $0x4;
	[sflag:s6] =	ssyncset.done $0x0  }
0x65: {  	s21 =	sadd.s32 s1, s21;
	[sflag:s6] =	ssyncadd.s32 $0xFFFFC000  }
0x66: {  	[hbm4b:s21+s3] =	stream.linear.scatter [tilespmem:s5], [sflag:$0x2], $0x4000, $0x38;
	[tilespmem:$0x4080] =	vst v63  }
0x67: {  	s23 =	sadd.s32 $0x400, s31;
	_ =	swait.ge [sflag:s4], $0x4000  }
0x68: {  	s22 =	sshrl.u32 s23, $0x3;
	[sflag:s4] =	ssyncset.done $0x0  }
0x69: {  	s22 =	sadd.s32 s29, s22;
	[sflag:s4] =	ssyncadd.s32 $0xFFFFC000  }
0x6a: {  	[tilespmem:s3], [sflag:$0x2] =	stream.linear.gather [hbm4b:s22+s3], $0x80, $0x38;
	[tilespmem:$0x4080] =	vst v63  }
0x6b: {  	_ =	swait.ge [sflag:s4], $0x80  }
0x6c: {  	[sflag:s4] =	ssyncset.done $0x0  }
0x6d: {  	[sflag:s4] =	ssyncadd.s32 $0xFFFFFF80  }
0x6e: {  	[tilespmem:s5], [sflag:$0x1] =	stream.indirect.gather [hbm4b:s2+s5], $0x80, s3, s5, $0xb8;
	[tilespmem:$0x4080] =	vst v63  }
0x6f: {  	_ =	swait.ge [sflag:s6], $0x4000  }
0x70: {  	s23 =	sshll.u32 s23, $0x4;
	[sflag:s6] =	ssyncset.done $0x0  }
0x71: {  	s23 =	sadd.s32 s1, s23;
	[sflag:s6] =	ssyncadd.s32 $0xFFFFC000  }
0x72: {  	[hbm4b:s23+s3] =	stream.linear.scatter [tilespmem:s5], [sflag:$0x2], $0x4000, $0x38;
	[tilespmem:$0x4080] =	vst v63  }
0x73: {  	s25 =	sadd.s32 $0x480, s31;
	_ =	swait.ge [sflag:s4], $0x4000  }
0x74: {  	s24 =	sshrl.u32 s25, $0x3;
	[sflag:s4] =	ssyncset.done $0x0  }
0x75: {  	s24 =	sadd.s32 s29, s24;
	[sflag:s4] =	ssyncadd.s32 $0xFFFFC000  }
0x76: {  	[tilespmem:s3], [sflag:$0x2] =	stream.linear.gather [hbm4b:s24+s3], $0x80, $0x38;
	[tilespmem:$0x4080] =	vst v63  }
0x77: {  	_ =	swait.ge [sflag:s4], $0x80  }
0x78: {  	[sflag:s4] =	ssyncset.done $0x0  }
0x79: {  	[sflag:s4] =	ssyncadd.s32 $0xFFFFFF80  }
0x7a: {  	[tilespmem:s5], [sflag:$0x1] =	stream.indirect.gather [hbm4b:s2+s5], $0x80, s3, s5, $0xb8;
	[tilespmem:$0x4080] =	vst v63  }
0x7b: {  	_ =	swait.ge [sflag:s6], $0x4000  }
0x7c: {  	s25 =	sshll.u32 s25, $0x4;
	[sflag:s6] =	ssyncset.done $0x0  }
0x7d: {  	s25 =	sadd.s32 s1, s25;
	[sflag:s6] =	ssyncadd.s32 $0xFFFFC000  }
0x7e: {  	[hbm4b:s25+s3] =	stream.linear.scatter [tilespmem:s5], [sflag:$0x2], $0x4000, $0x38;
	[tilespmem:$0x4080] =	vst v63  }
0x7f: {  	s28 =	sadd.s32 $0x500, s31;
	_ =	swait.ge [sflag:s4], $0x4000  }
0x80: {  	s26 =	sshrl.u32 s28, $0x3;
	[sflag:s4] =	ssyncset.done $0x0  }
0x81: {  	s26 =	sadd.s32 s29, s26;
	[sflag:s4] =	ssyncadd.s32 $0xFFFFC000  }
0x82: {  	[tilespmem:s3], [sflag:$0x2] =	stream.linear.gather [hbm4b:s26+s3], $0x80, $0x38;
	[tilespmem:$0x4080] =	vst v63  }
0x83: {  	_ =	swait.ge [sflag:s4], $0x80  }
0x84: {  	[sflag:s4] =	ssyncset.done $0x0  }
0x85: {  	[sflag:s4] =	ssyncadd.s32 $0xFFFFFF80  }
0x86: {  	[tilespmem:s5], [sflag:$0x1] =	stream.indirect.gather [hbm4b:s2+s5], $0x80, s3, s5, $0xb8;
	[tilespmem:$0x4080] =	vst v63  }
0x87: {  	_ =	swait.ge [sflag:s6], $0x4000  }
0x88: {  	s28 =	sshll.u32 s28, $0x4;
	[sflag:s6] =	ssyncset.done $0x0  }
0x89: {  	s31 =	sadd.s32 $0x580, s31;
	s28 =	sadd.s32 s1, s28;
	[sflag:s6] =	ssyncadd.s32 $0xFFFFC000  }
0x8a: {  	[hbm4b:s28+s3] =	stream.linear.scatter [tilespmem:s5], [sflag:$0x2], $0x4000, $0x38;
	[tilespmem:$0x4080] =	vst v63  }
0x8b: {  	s0 =	sshrl.u32 s31, $0x3;
	_ =	swait.ge [sflag:s4], $0x4000  }
0x8c: {  	s29 =	sadd.s32 s29, s0;
	s0 =	ssub.s32 $0x2, s30;
	[sflag:s4] =	ssyncset.done $0x0  }
0x8d: {  	s30 =	sshrl.u32 s0, $0x1;
	[sflag:s4] =	ssyncadd.s32 $0xFFFFC000  }
0x8e: {  	[tilespmem:s3], [sflag:$0x2] =	stream.linear.gather [hbm4b:s29+s3], $0x80, $0x38;
	[tilespmem:$0x4080] =	vst v63  }
0x8f: {  	s0 =	ssub.s32 s0, s30;
	_ =	swait.ge [sflag:s4], $0x80  }
0x90: {  	s0 =	smax.u32 s0, $0x1;
	[sflag:s4] =	ssyncset.done $0x0  }
0x91: {  	p0 =	sne.s32 s0, $0x1;
	[sflag:s4] =	ssyncadd.s32 $0xFFFFFF80  }
0x92: {  	[tilespmem:s5], [sflag:$0x1] =	stream.indirect.gather [hbm4b:s2+s5], $0x80, s3, s5, $0xb8;
	[tilespmem:$0x4080] =	vst v63  }
.Ltmp0:
0x93: {  	_ =	swait.ge [sflag:s6], $0x4000;
	(pc) =	sbr.rel @!p0 .LBB2_2-.Ltmp0, $4  }
0x94: {  	s30 =	sshll.u32 s31, $0x4;
	[sflag:s6] =	ssyncset.done $0x0  }
0x95: {  	s30 =	sadd.s32 s1, s30;
	[sflag:s6] =	ssyncadd.s32 $0xFFFFC000  }
0x96: {  	[hbm4b:s30+s3] =	stream.linear.scatter [tilespmem:s5], [sflag:$0x2], $0x4000, $0x38;
	[tilespmem:$0x4080] =	vst v63  }
0x97: {  	s31 =	sadd.s32 $0xFFFFFFFF, s0;
	_ =	swait.ge [sflag:s4], $0x4000  }
.LBB2_1:
0x98: {  	[sflag:s4] =	ssyncset.done $0x0  }
0x99: {  	s0 =	rddreg [dreg:$0x4];
	[sflag:s4] =	ssyncadd.s32 $0xFFFFC000  }
0x9a: {  	[tilespmem:s3], [sflag:$0x2] =	stream.linear.gather [hbm4b:s0+s3], $0x80, $0x38;
	[tilespmem:$0x4080] =	vst v63  }
0x9b: {  	_ =	swait.ge [sflag:s4], $0x80  }
0x9c: {  	[sflag:s4] =	ssyncset.done $0x0  }
0x9d: {  	[sflag:s4] =	ssyncadd.s32 $0xFFFFFF80  }
0x9e: {  	[tilespmem:s5], [sflag:$0x1] =	stream.indirect.gather [hbm4b:s2+s5], $0x80, s3, s5, $0xb8;
	[tilespmem:$0x4080] =	vst v63  }
0x9f: {  	_ =	swait.ge [sflag:s6], $0x4000  }
0xa0: {  	[sflag:s6] =	ssyncset.done $0x0  }
0xa1: {  	[sflag:s6] =	ssyncadd.s32 $0xFFFFC000  }
0xa2: {  	[hbm4b:s7+s3] =	stream.linear.scatter [tilespmem:s5], [sflag:$0x2], $0x4000, $0x38;
	[tilespmem:$0x4080] =	vst v63  }
0xa3: {  	_ =	swait.ge [sflag:s4], $0x4000  }
0xa4: {  	[sflag:s4] =	ssyncset.done $0x0  }
0xa5: {  	[sflag:s4] =	ssyncadd.s32 $0xFFFFC000  }
0xa6: {  	[tilespmem:s3], [sflag:$0x2] =	stream.linear.gather [hbm4b:s8+s3], $0x80, $0x38;
	[tilespmem:$0x4080] =	vst v63  }
0xa7: {  	_ =	swait.ge [sflag:s4], $0x80  }
0xa8: {  	[sflag:s4] =	ssyncset.done $0x0  }
0xa9: {  	[sflag:s4] =	ssyncadd.s32 $0xFFFFFF80  }
0xaa: {  	[tilespmem:s5], [sflag:$0x1] =	stream.indirect.gather [hbm4b:s2+s5], $0x80, s3, s5, $0xb8;
	[tilespmem:$0x4080] =	vst v63  }
0xab: {  	_ =	swait.ge [sflag:s6], $0x4000  }
0xac: {  	[sflag:s6] =	ssyncset.done $0x0  }
0xad: {  	[sflag:s6] =	ssyncadd.s32 $0xFFFFC000  }
0xae: {  	[hbm4b:s9+s3] =	stream.linear.scatter [tilespmem:s5], [sflag:$0x2], $0x4000, $0x38;
	[tilespmem:$0x4080] =	vst v63  }
0xaf: {  	_ =	swait.ge [sflag:s4], $0x4000  }
0xb0: {  	[sflag:s4] =	ssyncset.done $0x0  }
0xb1: {  	[sflag:s4] =	ssyncadd.s32 $0xFFFFC000  }
0xb2: {  	[tilespmem:s3], [sflag:$0x2] =	stream.linear.gather [hbm4b:s10+s3], $0x80, $0x38;
	[tilespmem:$0x4080] =	vst v63  }
0xb3: {  	_ =	swait.ge [sflag:s4], $0x80  }
0xb4: {  	[sflag:s4] =	ssyncset.done $0x0  }
0xb5: {  	[sflag:s4] =	ssyncadd.s32 $0xFFFFFF80  }
0xb6: {  	[tilespmem:s5], [sflag:$0x1] =	stream.indirect.gather [hbm4b:s2+s5], $0x80, s3, s5, $0xb8;
	[tilespmem:$0x4080] =	vst v63  }
0xb7: {  	_ =	swait.ge [sflag:s6], $0x4000  }
0xb8: {  	[sflag:s6] =	ssyncset.done $0x0  }
0xb9: {  	[sflag:s6] =	ssyncadd.s32 $0xFFFFC000  }
0xba: {  	[hbm4b:s11+s3] =	stream.linear.scatter [tilespmem:s5], [sflag:$0x2], $0x4000, $0x38;
	[tilespmem:$0x4080] =	vst v63  }
0xbb: {  	_ =	swait.ge [sflag:s4], $0x4000  }
0xbc: {  	[sflag:s4] =	ssyncset.done $0x0  }
0xbd: {  	[sflag:s4] =	ssyncadd.s32 $0xFFFFC000  }
0xbe: {  	[tilespmem:s3], [sflag:$0x2] =	stream.linear.gather [hbm4b:s12+s3], $0x80, $0x38;
	[tilespmem:$0x4080] =	vst v63  }
0xbf: {  	_ =	swait.ge [sflag:s4], $0x80  }
0xc0: {  	[sflag:s4] =	ssyncset.done $0x0  }
0xc1: {  	[sflag:s4] =	ssyncadd.s32 $0xFFFFFF80  }
0xc2: {  	[tilespmem:s5], [sflag:$0x1] =	stream.indirect.gather [hbm4b:s2+s5], $0x80, s3, s5, $0xb8;
	[tilespmem:$0x4080] =	vst v63  }
0xc3: {  	_ =	swait.ge [sflag:s6], $0x4000  }
0xc4: {  	[sflag:s6] =	ssyncset.done $0x0  }
0xc5: {  	[sflag:s6] =	ssyncadd.s32 $0xFFFFC000  }
0xc6: {  	[hbm4b:s13+s3] =	stream.linear.scatter [tilespmem:s5], [sflag:$0x2], $0x4000, $0x38;
	[tilespmem:$0x4080] =	vst v63  }
0xc7: {  	_ =	swait.ge [sflag:s4], $0x4000  }
0xc8: {  	[sflag:s4] =	ssyncset.done $0x0  }
0xc9: {  	[sflag:s4] =	ssyncadd.s32 $0xFFFFC000  }
0xca: {  	[tilespmem:s3], [sflag:$0x2] =	stream.linear.gather [hbm4b:s14+s3], $0x80, $0x38;
	[tilespmem:$0x4080] =	vst v63  }
0xcb: {  	_ =	swait.ge [sflag:s4], $0x80  }
0xcc: {  	[sflag:s4] =	ssyncset.done $0x0  }
0xcd: {  	[sflag:s4] =	ssyncadd.s32 $0xFFFFFF80  }
0xce: {  	[tilespmem:s5], [sflag:$0x1] =	stream.indirect.gather [hbm4b:s2+s5], $0x80, s3, s5, $0xb8;
	[tilespmem:$0x4080] =	vst v63  }
0xcf: {  	_ =	swait.ge [sflag:s6], $0x4000  }
0xd0: {  	[sflag:s6] =	ssyncset.done $0x0  }
0xd1: {  	[sflag:s6] =	ssyncadd.s32 $0xFFFFC000  }
0xd2: {  	[hbm4b:s15+s3] =	stream.linear.scatter [tilespmem:s5], [sflag:$0x2], $0x4000, $0x38;
	[tilespmem:$0x4080] =	vst v63  }
0xd3: {  	_ =	swait.ge [sflag:s4], $0x4000  }
0xd4: {  	[sflag:s4] =	ssyncset.done $0x0  }
0xd5: {  	[sflag:s4] =	ssyncadd.s32 $0xFFFFC000  }
0xd6: {  	[tilespmem:s3], [sflag:$0x2] =	stream.linear.gather [hbm4b:s16+s3], $0x80, $0x38;
	[tilespmem:$0x4080] =	vst v63  }
0xd7: {  	_ =	swait.ge [sflag:s4], $0x80  }
0xd8: {  	[sflag:s4] =	ssyncset.done $0x0  }
0xd9: {  	[sflag:s4] =	ssyncadd.s32 $0xFFFFFF80  }
0xda: {  	[tilespmem:s5], [sflag:$0x1] =	stream.indirect.gather [hbm4b:s2+s5], $0x80, s3, s5, $0xb8;
	[tilespmem:$0x4080] =	vst v63  }
0xdb: {  	_ =	swait.ge [sflag:s6], $0x4000  }
0xdc: {  	[sflag:s6] =	ssyncset.done $0x0  }
0xdd: {  	[sflag:s6] =	ssyncadd.s32 $0xFFFFC000  }
0xde: {  	[hbm4b:s17+s3] =	stream.linear.scatter [tilespmem:s5], [sflag:$0x2], $0x4000, $0x38;
	[tilespmem:$0x4080] =	vst v63  }
0xdf: {  	_ =	swait.ge [sflag:s4], $0x4000  }
0xe0: {  	[sflag:s4] =	ssyncset.done $0x0  }
0xe1: {  	[sflag:s4] =	ssyncadd.s32 $0xFFFFC000  }
0xe2: {  	[tilespmem:s3], [sflag:$0x2] =	stream.linear.gather [hbm4b:s18+s3], $0x80, $0x38;
	[tilespmem:$0x4080] =	vst v63  }
0xe3: {  	_ =	swait.ge [sflag:s4], $0x80  }
0xe4: {  	[sflag:s4] =	ssyncset.done $0x0  }
0xe5: {  	[sflag:s4] =	ssyncadd.s32 $0xFFFFFF80  }
0xe6: {  	[tilespmem:s5], [sflag:$0x1] =	stream.indirect.gather [hbm4b:s2+s5], $0x80, s3, s5, $0xb8;
	[tilespmem:$0x4080] =	vst v63  }
0xe7: {  	_ =	swait.ge [sflag:s6], $0x4000  }
0xe8: {  	[sflag:s6] =	ssyncset.done $0x0  }
0xe9: {  	[sflag:s6] =	ssyncadd.s32 $0xFFFFC000  }
0xea: {  	[hbm4b:s19+s3] =	stream.linear.scatter [tilespmem:s5], [sflag:$0x2], $0x4000, $0x38;
	[tilespmem:$0x4080] =	vst v63  }
0xeb: {  	_ =	swait.ge [sflag:s4], $0x4000  }
0xec: {  	[sflag:s4] =	ssyncset.done $0x0  }
0xed: {  	[sflag:s4] =	ssyncadd.s32 $0xFFFFC000  }
0xee: {  	[tilespmem:s3], [sflag:$0x2] =	stream.linear.gather [hbm4b:s20+s3], $0x80, $0x38;
	[tilespmem:$0x4080] =	vst v63  }
0xef: {  	_ =	swait.ge [sflag:s4], $0x80  }
0xf0: {  	[sflag:s4] =	ssyncset.done $0x0  }
0xf1: {  	[sflag:s4] =	ssyncadd.s32 $0xFFFFFF80  }
0xf2: {  	[tilespmem:s5], [sflag:$0x1] =	stream.indirect.gather [hbm4b:s2+s5], $0x80, s3, s5, $0xb8;
	[tilespmem:$0x4080] =	vst v63  }
0xf3: {  	_ =	swait.ge [sflag:s6], $0x4000  }
0xf4: {  	[sflag:s6] =	ssyncset.done $0x0  }
0xf5: {  	[sflag:s6] =	ssyncadd.s32 $0xFFFFC000  }
0xf6: {  	[hbm4b:s21+s3] =	stream.linear.scatter [tilespmem:s5], [sflag:$0x2], $0x4000, $0x38;
	[tilespmem:$0x4080] =	vst v63  }
0xf7: {  	_ =	swait.ge [sflag:s4], $0x4000  }
0xf8: {  	[sflag:s4] =	ssyncset.done $0x0  }
0xf9: {  	[sflag:s4] =	ssyncadd.s32 $0xFFFFC000  }
0xfa: {  	[tilespmem:s3], [sflag:$0x2] =	stream.linear.gather [hbm4b:s22+s3], $0x80, $0x38;
	[tilespmem:$0x4080] =	vst v63  }
0xfb: {  	_ =	swait.ge [sflag:s4], $0x80  }
0xfc: {  	[sflag:s4] =	ssyncset.done $0x0  }
0xfd: {  	[sflag:s4] =	ssyncadd.s32 $0xFFFFFF80  }
0xfe: {  	[tilespmem:s5], [sflag:$0x1] =	stream.indirect.gather [hbm4b:s2+s5], $0x80, s3, s5, $0xb8;
	[tilespmem:$0x4080] =	vst v63  }
0xff: {  	_ =	swait.ge [sflag:s6], $0x4000  }
0x100: {  	[sflag:s6] =	ssyncset.done $0x0  }
0x101: {  	[sflag:s6] =	ssyncadd.s32 $0xFFFFC000  }
0x102: {  	[hbm4b:s23+s3] =	stream.linear.scatter [tilespmem:s5], [sflag:$0x2], $0x4000, $0x38;
	[tilespmem:$0x4080] =	vst v63  }
0x103: {  	_ =	swait.ge [sflag:s4], $0x4000  }
0x104: {  	[sflag:s4] =	ssyncset.done $0x0  }
0x105: {  	[sflag:s4] =	ssyncadd.s32 $0xFFFFC000  }
0x106: {  	[tilespmem:s3], [sflag:$0x2] =	stream.linear.gather [hbm4b:s24+s3], $0x80, $0x38;
	[tilespmem:$0x4080] =	vst v63  }
0x107: {  	_ =	swait.ge [sflag:s4], $0x80  }
0x108: {  	[sflag:s4] =	ssyncset.done $0x0  }
0x109: {  	[sflag:s4] =	ssyncadd.s32 $0xFFFFFF80  }
0x10a: {  	[tilespmem:s5], [sflag:$0x1] =	stream.indirect.gather [hbm4b:s2+s5], $0x80, s3, s5, $0xb8;
	[tilespmem:$0x4080] =	vst v63  }
0x10b: {  	_ =	swait.ge [sflag:s6], $0x4000  }
0x10c: {  	[sflag:s6] =	ssyncset.done $0x0  }
0x10d: {  	[sflag:s6] =	ssyncadd.s32 $0xFFFFC000  }
0x10e: {  	[hbm4b:s25+s3] =	stream.linear.scatter [tilespmem:s5], [sflag:$0x2], $0x4000, $0x38;
	[tilespmem:$0x4080] =	vst v63  }
0x10f: {  	_ =	swait.ge [sflag:s4], $0x4000  }
0x110: {  	[sflag:s4] =	ssyncset.done $0x0  }
0x111: {  	[sflag:s4] =	ssyncadd.s32 $0xFFFFC000  }
0x112: {  	[tilespmem:s3], [sflag:$0x2] =	stream.linear.gather [hbm4b:s26+s3], $0x80, $0x38;
	[tilespmem:$0x4080] =	vst v63  }
0x113: {  	_ =	swait.ge [sflag:s4], $0x80  }
0x114: {  	[sflag:s4] =	ssyncset.done $0x0  }
0x115: {  	[sflag:s4] =	ssyncadd.s32 $0xFFFFFF80  }
0x116: {  	[tilespmem:s5], [sflag:$0x1] =	stream.indirect.gather [hbm4b:s2+s5], $0x80, s3, s5, $0xb8;
	[tilespmem:$0x4080] =	vst v63  }
0x117: {  	_ =	swait.ge [sflag:s6], $0x4000  }
0x118: {  	[sflag:s6] =	ssyncset.done $0x0  }
0x119: {  	[sflag:s6] =	ssyncadd.s32 $0xFFFFC000  }
0x11a: {  	[hbm4b:s28+s3] =	stream.linear.scatter [tilespmem:s5], [sflag:$0x2], $0x4000, $0x38;
	[tilespmem:$0x4080] =	vst v63  }
0x11b: {  	_ =	swait.ge [sflag:s4], $0x4000  }
0x11c: {  	[sflag:s4] =	ssyncset.done $0x0  }
0x11d: {  	[sflag:s4] =	ssyncadd.s32 $0xFFFFC000  }
0x11e: {  	[tilespmem:s3], [sflag:$0x2] =	stream.linear.gather [hbm4b:s29+s3], $0x80, $0x38;
	[tilespmem:$0x4080] =	vst v63  }
0x11f: {  	_ =	swait.ge [sflag:s4], $0x80  }
0x120: {  	[sflag:s4] =	ssyncset.done $0x0  }
0x121: {  	p0 =	sne.s32 s31, $0x1;
	[sflag:s4] =	ssyncadd.s32 $0xFFFFFF80  }
0x122: {  	[tilespmem:s5], [sflag:$0x1] =	stream.indirect.gather [hbm4b:s2+s5], $0x80, s3, s5, $0xb8;
	[tilespmem:$0x4080] =	vst v63  }
.Ltmp1:
0x123: {  	_ =	swait.ge [sflag:s6], $0x4000;
	(pc) =	sbr.rel @p0 .LBB2_1-.Ltmp1, $4  }
0x124: {  	[sflag:s6] =	ssyncset.done $0x0  }
0x125: {  	[sflag:s6] =	ssyncadd.s32 $0xFFFFC000  }
0x126: {  	[hbm4b:s30+s3] =	stream.linear.scatter [tilespmem:s5], [sflag:$0x2], $0x4000, $0x38;
	[tilespmem:$0x4080] =	vst v63  }
0x127: {  	s31 =	sadd.s32 $0xFFFFFFFF, s31;
	_ =	swait.ge [sflag:s4], $0x4000  }
.LBB2_2:
0x128: {  	[sflag:s4] =	ssyncset.done $0x0  }
0x129: {  	[sflag:s4] =	ssyncadd.s32 $0xFFFFC000  }
0x12a: {  	_ =	sfence.sel $0x180000  }
0x12b: {  	[bflag:$0x0] =	sbarrier.arrive $0xFFFF  }
0x12c: {  	_ =	strace $0x90000047  }
0x12d: {  	s0 =	stileid.u32;
	[bflag:$0x2] =	sbarrier.arrive $0xFFFF  }
0x12e: {  	p0 =	sne.s32 s0, $0x0;
	s0 =	rddreg [dreg:$0x3]  }
0x12f: {  	s0 =	sadd.s32 @!p0 $0x100000, s0  }
0x130: {  	[sflag:s0] =	ssyncadd.tile.s32 @!p0 $0x1;
	_ =	shalt  }
.Lfunc_end2:
_tile_overlayer_lowered:
.L_overlay_start_2:
0x131: {  	(tag) =	ssettag $0x2  }
0x132: {  	s0 =	rddreg [dreg:$0x0];
	s2 =	stileid.u32  }
0x133: {  	s1 =	rddreg [dreg:$0x1];
	p0 =	sne.s32 s2, $0x0  }
0x134: {  	s3 =	rddreg [dreg:$0x2];
	[bflag:$0x3] =	sbarrier.arrive $0xFFFF;
	s2 =	simm.s32 @!p0 $0x1C02  }
0x135: {  	[timem:s3], [sflag:s2] =	dma.local @!p0 [hbm:s0], s1  }
0x136: {  	s0 =	simm.s32 @!p0 $0x2  }
0x137: {  	_ =	swait.ge @!p0 [sflag:s0], s1  }
0x138: {  	s1 =	ssub.s32 @!p0 $0x0, s1;
	[sflag:s0] =	ssyncset.done @!p0 $0x0  }
0x139: {  	[sflag:s0] =	ssyncadd.s32 @!p0 s1  }
0x13a: {  	[bflag:$0x3] =	sbarrier.arrive $0xFFFF  }
0x13b: {  	_ =	shalt  }

</sc_bundles>
